<compile_context>
chip_gen: v7x
topology: tpu7x:2x2x1
jax: 0.10.2.dev20260603
libtpu: 0.0.44.dev20260713+nightly
codegen_flags: <defaults>
</compile_context>

<pallas_src>
import jax
import jax.numpy as jnp
from jax import lax
from jax.experimental import pallas as pl
from jax.experimental.pallas import tpu as pltpu
from jax.experimental.pallas import tpu_sc as plsc

BATCH = 16384
HIST = 50
D = 64
N = BATCH * HIST

_info = plsc.get_sparse_core_info()
NC, NS = _info.num_cores, _info.num_subcores
NW = NC * NS
PER_W = N // NW
CHUNK = 800
NCHUNK = PER_W // CHUNK
GROUPS = CHUNK // 16


def _sc_body(idx_hbm, tab_hbm, out_hbm, idx_v, tab_v, out_v, sem):
    wid = lax.axis_index("s") * NC + lax.axis_index("c")
    pltpu.sync_copy(idx_hbm.at[wid], idx_v)
    pltpu.sync_copy(tab_hbm, tab_v)
    base = wid * PER_W
    iota = lax.iota(jnp.int32, 16)
    row_off = iota * D

    def group(g, c):
        xv = idx_v[pl.ds(c * CHUNK + g * 16, 16)]
        src = xv * D
        dst = g * (16 * D) + row_off
        for k in range(D):
            v = plsc.load_gather(tab_v, [src + k])
            plsc.store_scatter(out_v, [dst + k], v)
        return c

    def chunk(c, carry):
        lax.fori_loop(0, GROUPS, group, c)
        pltpu.async_copy(
            out_v, out_hbm.at[pl.ds((base + c * CHUNK) * D, CHUNK * D)], sem
        ).wait()
        return carry

    lax.fori_loop(0, NCHUNK, chunk, 0)


@jax.jit
def kernel(x, table):
    idx = x.reshape(NW, PER_W)
    out = pl.kernel(
        _sc_body,
        out_type=jax.ShapeDtypeStruct((N * D,), jnp.float32),
        mesh=plsc.VectorSubcoreMesh(core_axis_name="c", subcore_axis_name="s"),
        compiler_params=pltpu.CompilerParams(needs_layout_passes=False),
        scratch_types=[
            pltpu.VMEM((PER_W,), jnp.int32),
            pltpu.VMEM((2 * D,), jnp.float32),
            pltpu.VMEM((CHUNK * D,), jnp.float32),
            pltpu.SemaphoreType.DMA,
        ],
    )(idx, table.reshape(2 * D))
    return out.reshape(BATCH, HIST, D)

# --- scband reference (transcript-rebuilt; emitter-appended) ---
"""Pipeline reference for scband-ior-v-65292092833832 (READ-ONLY COPY).

The authoritative reference and input builder live on the scoring server;
editing this copy changes nothing except your own understanding.
"""

import jax, jax.numpy as jnp
import numpy as np

EMBEDDING_SIZE = 64
NUM_EMBEDDINGS = 2
BATCH = 16384
HIST = 50


def setup_inputs(seed: int = 0) -> dict:
    key = jax.random.key(seed)
    k_idx, k_tab = jax.random.split(key)
    x = jax.random.randint(k_idx, (BATCH, HIST), 0, NUM_EMBEDDINGS, dtype=jnp.int64) if jax.config.jax_enable_x64 else jax.random.randint(k_idx, (BATCH, HIST), 0, NUM_EMBEDDINGS, dtype=jnp.int32)
    # nn.Embedding default init: N(0, 1)
    table = jax.random.normal(k_tab, (NUM_EMBEDDINGS, EMBEDDING_SIZE), dtype=jnp.float32)
    return {"x": x, "table": table}


def reference(x, table):
    # faithful translation of nn.Embedding lookup: out[b, t, :] = table[x[b, t], :]
    return jnp.take(table, x, axis=0)

if __name__ == "__main__":
    import jax
    _d = setup_inputs()
    print(jax.jit(kernel)(*tuple(_d.values())))

</pallas_src>

<mosaic_0001>
#map = affine_map<(d0, d1) -> (0, 0)>
#map1 = affine_map<(d0, d1) -> (0)>
module attributes {stable_mosaic.version = 14 : i64} {
  func.func @_sc_body(%arg0: i32, %arg1: i32, %arg2: memref<32x25600xi32, #tpu.memory_space<hbm>>, %arg3: memref<128xf32, #tpu.memory_space<hbm>>, %arg4: memref<52428800xf32, #tpu.memory_space<hbm>>, %arg5: memref<25600xi32, #tpu.memory_space<vmem>>, %arg6: memref<128xf32, #tpu.memory_space<vmem>>, %arg7: memref<51200xf32, #tpu.memory_space<vmem>>, %arg8: memref<!tpu.dma_semaphore, #tpu.memory_space<semaphore_mem>>) attributes {dimension_semantics = [#tpu.dimension_semantics<core_parallel>, #tpu.dimension_semantics<subcore_parallel>], iteration_bounds = array<i64: 2, 16>, scalar_prefetch = 0 : i64, scratch_operands = 4 : i64, tpu.core_type = #tpu.core_type<sc_vector_subcore>, window_params = [{transform_indices = #map}, {transform_indices = #map1}, {transform_indices = #map1}]} {
    %mul3A = arith.constant 2 : i32
    %mul3A_0 = arith.muli %arg1, %mul3A : i32
    %add3A = arith.addi %mul3A_0, %arg0 : i32
    "tpu.region"() ({
      %run_scoped3A = tpu.sem_alloc : memref<!tpu.dma_semaphore, #tpu.memory_space<semaphore_mem>>
      %dma_start3A = arith.constant 0 : i32
      %dma_start3A_11 = tpu.memref_slice %arg2[%add3A, %dma_start3A] : memref<32x25600xi32, #tpu.memory_space<hbm>> -> memref<1x25600xi32, #tpu.memory_space<hbm>>
      %dma_start3A_12 = tpu.memref_squeeze %dma_start3A_11 : memref<1x25600xi32, #tpu.memory_space<hbm>> -> memref<25600xi32, #tpu.memory_space<hbm>>
      %dma_start3A_13 = arith.constant 0 : i32
      %dma_start3A_14 = tpu.memref_slice %arg2[%add3A, %dma_start3A_13] : memref<32x25600xi32, #tpu.memory_space<hbm>> -> memref<1x25600xi32, #tpu.memory_space<hbm>>
      %dma_start3A_15 = tpu.memref_squeeze %dma_start3A_14 : memref<1x25600xi32, #tpu.memory_space<hbm>> -> memref<25600xi32, #tpu.memory_space<hbm>>
      tpu.enqueue_dma source(%dma_start3A_15 : memref<25600xi32, #tpu.memory_space<hbm>>) target(%arg5 : memref<25600xi32, #tpu.memory_space<vmem>>) target_semaphore(%run_scoped3A : memref<!tpu.dma_semaphore, #tpu.memory_space<semaphore_mem>>)
      %dma_wait3A = arith.constant 0 : i32
      %dma_wait3A_16 = tpu.memref_slice %arg2[%add3A, %dma_wait3A] : memref<32x25600xi32, #tpu.memory_space<hbm>> -> memref<1x25600xi32, #tpu.memory_space<hbm>>
      %dma_wait3A_17 = tpu.memref_squeeze %dma_wait3A_16 : memref<1x25600xi32, #tpu.memory_space<hbm>> -> memref<25600xi32, #tpu.memory_space<hbm>>
      %dma_wait3A_18 = arith.constant 0 : i32
      %dma_wait3A_19 = tpu.memref_slice %arg2[%add3A, %dma_wait3A_18] : memref<32x25600xi32, #tpu.memory_space<hbm>> -> memref<1x25600xi32, #tpu.memory_space<hbm>>
      %dma_wait3A_20 = tpu.memref_squeeze %dma_wait3A_19 : memref<1x25600xi32, #tpu.memory_space<hbm>> -> memref<25600xi32, #tpu.memory_space<hbm>>
      tpu.wait_dma2 semaphore(%run_scoped3A : memref<!tpu.dma_semaphore, #tpu.memory_space<semaphore_mem>>) src(%dma_wait3A_20 : memref<25600xi32, #tpu.memory_space<hbm>>) dst(%arg5 : memref<25600xi32, #tpu.memory_space<vmem>>)
      tpu.yield
    }) : () -> ()
    "tpu.region"() ({
      %run_scoped3A = tpu.sem_alloc : memref<!tpu.dma_semaphore, #tpu.memory_space<semaphore_mem>>
      tpu.enqueue_dma source(%arg3 : memref<128xf32, #tpu.memory_space<hbm>>) target(%arg6 : memref<128xf32, #tpu.memory_space<vmem>>) target_semaphore(%run_scoped3A : memref<!tpu.dma_semaphore, #tpu.memory_space<semaphore_mem>>)
      tpu.wait_dma2 semaphore(%run_scoped3A : memref<!tpu.dma_semaphore, #tpu.memory_space<semaphore_mem>>) src(%arg3 : memref<128xf32, #tpu.memory_space<hbm>>) dst(%arg6 : memref<128xf32, #tpu.memory_space<vmem>>)
      tpu.yield
    }) : () -> ()
    %mul3A_1 = arith.constant 25600 : i32
    %mul3A_2 = arith.muli %add3A, %mul3A_1 : i32
    %iota3A = tpu.iota {dimensions = array<i32: 0>} : vector<16xi32>
    %mul3A_3 = arith.constant 64 : i32
    %mul3A_4 = vector.broadcast %mul3A_3 : i32 to vector<16xi32>
    %mul3A_5 = arith.muli %iota3A, %mul3A_4 : vector<16xi32>
    %scan3A = arith.constant 0 : i32
    %scan3A_6 = arith.constant 0 : i32
    %scan3A_7 = arith.constant 32 : i32
    %scan3A_8 = arith.addi %scan3A_6, %scan3A_7 : i32
    %scan3A_9 = arith.constant 1 : i32
    scf.for %scan3A_11 = %scan3A_6 to %scan3A_8 step %scan3A_9  : i32 {
      %scan3A_12 = arith.constant 0 : i32
      %scan3A_13 = arith.constant 50 : i32
      %scan3A_14 = arith.addi %scan3A_12, %scan3A_13 : i32
      %scan3A_15 = arith.constant 1 : i32
      scf.for %scan3A_24 = %scan3A_12 to %scan3A_14 step %scan3A_15  : i32 {
        %mul3A_25 = arith.constant 800 : i32
        %mul3A_26 = arith.muli %scan3A_11, %mul3A_25 : i32
        %mul3A_27 = arith.constant 16 : i32
        %mul3A_28 = arith.muli %scan3A_24, %mul3A_27 : i32
        %add3A_29 = arith.addi %mul3A_26, %mul3A_28 : i32
        %get3A = arith.index_cast %add3A_29 : i32 to index
        %get3A_30 = tpu.vector_load %arg5[%get3A] {strides = array<i32>} : memref<25600xi32, #tpu.memory_space<vmem>>, vector<16xi32>,
        %mul3A_31 = arith.constant 64 : i32
        %mul3A_32 = vector.broadcast %mul3A_31 : i32 to vector<16xi32>
        %mul3A_33 = arith.muli %get3A_30, %mul3A_32 : vector<16xi32>
        %mul3A_34 = arith.constant 1024 : i32
        %mul3A_35 = arith.muli %scan3A_24, %mul3A_34 : i32
        %add3A_36 = vector.broadcast %mul3A_35 : i32 to vector<16xi32>
        %add3A_37 = arith.addi %add3A_36, %mul3A_5 : vector<16xi32>
        %add3A_38 = arith.constant 0 : i32
        %add3A_39 = vector.broadcast %add3A_38 : i32 to vector<16xi32>
        %add3A_40 = arith.addi %mul3A_33, %add3A_39 : vector<16xi32>
        %gather3A = tpu.vector_load_idx %arg6[%add3A_40] : memref<128xf32, #tpu.memory_space<vmem>>[vector<16xi32>], vector<16xf32>,
        %add3A_41 = arith.constant 0 : i32
        %add3A_42 = vector.broadcast %add3A_41 : i32 to vector<16xi32>
        %add3A_43 = arith.addi %add3A_37, %add3A_42 : vector<16xi32>
        tpu.vector_store_idx %arg7[%add3A_43], %gather3A : memref<51200xf32, #tpu.memory_space<vmem>>[vector<16xi32>], vector<16xf32>,
        %add3A_44 = arith.constant 1 : i32
        %add3A_45 = vector.broadcast %add3A_44 : i32 to vector<16xi32>
        %add3A_46 = arith.addi %mul3A_33, %add3A_45 : vector<16xi32>
        %gather3A_47 = tpu.vector_load_idx %arg6[%add3A_46] : memref<128xf32, #tpu.memory_space<vmem>>[vector<16xi32>], vector<16xf32>,
        %add3A_48 = arith.constant 1 : i32
        %add3A_49 = vector.broadcast %add3A_48 : i32 to vector<16xi32>
        %add3A_50 = arith.addi %add3A_37, %add3A_49 : vector<16xi32>
        tpu.vector_store_idx %arg7[%add3A_50], %gather3A_47 : memref<51200xf32, #tpu.memory_space<vmem>>[vector<16xi32>], vector<16xf32>,
        %add3A_51 = arith.constant 2 : i32
        %add3A_52 = vector.broadcast %add3A_51 : i32 to vector<16xi32>
        %add3A_53 = arith.addi %mul3A_33, %add3A_52 : vector<16xi32>
        %gather3A_54 = tpu.vector_load_idx %arg6[%add3A_53] : memref<128xf32, #tpu.memory_space<vmem>>[vector<16xi32>], vector<16xf32>,
        %add3A_55 = arith.constant 2 : i32
        %add3A_56 = vector.broadcast %add3A_55 : i32 to vector<16xi32>
        %add3A_57 = arith.addi %add3A_37, %add3A_56 : vector<16xi32>
        tpu.vector_store_idx %arg7[%add3A_57], %gather3A_54 : memref<51200xf32, #tpu.memory_space<vmem>>[vector<16xi32>], vector<16xf32>,
        %add3A_58 = arith.constant 3 : i32
        %add3A_59 = vector.broadcast %add3A_58 : i32 to vector<16xi32>
        %add3A_60 = arith.addi %mul3A_33, %add3A_59 : vector<16xi32>
        %gather3A_61 = tpu.vector_load_idx %arg6[%add3A_60] : memref<128xf32, #tpu.memory_space<vmem>>[vector<16xi32>], vector<16xf32>,
        %add3A_62 = arith.constant 3 : i32
        %add3A_63 = vector.broadcast %add3A_62 : i32 to vector<16xi32>
        %add3A_64 = arith.addi %add3A_37, %add3A_63 : vector<16xi32>
        tpu.vector_store_idx %arg7[%add3A_64], %gather3A_61 : memref<51200xf32, #tpu.memory_space<vmem>>[vector<16xi32>], vector<16xf32>,
        %add3A_65 = arith.constant 4 : i32
        %add3A_66 = vector.broadcast %add3A_65 : i32 to vector<16xi32>
        %add3A_67 = arith.addi %mul3A_33, %add3A_66 : vector<16xi32>
        %gather3A_68 = tpu.vector_load_idx %arg6[%add3A_67] : memref<128xf32, #tpu.memory_space<vmem>>[vector<16xi32>], vector<16xf32>,
        %add3A_69 = arith.constant 4 : i32
        %add3A_70 = vector.broadcast %add3A_69 : i32 to vector<16xi32>
        %add3A_71 = arith.addi %add3A_37, %add3A_70 : vector<16xi32>
        tpu.vector_store_idx %arg7[%add3A_71], %gather3A_68 : memref<51200xf32, #tpu.memory_space<vmem>>[vector<16xi32>], vector<16xf32>,
        %add3A_72 = arith.constant 5 : i32
        %add3A_73 = vector.broadcast %add3A_72 : i32 to vector<16xi32>
        %add3A_74 = arith.addi %mul3A_33, %add3A_73 : vector<16xi32>
        %gather3A_75 = tpu.vector_load_idx %arg6[%add3A_74] : memref<128xf32, #tpu.memory_space<vmem>>[vector<16xi32>], vector<16xf32>,
        %add3A_76 = arith.constant 5 : i32
        %add3A_77 = vector.broadcast %add3A_76 : i32 to vector<16xi32>
        %add3A_78 = arith.addi %add3A_37, %add3A_77 : vector<16xi32>
        tpu.vector_store_idx %arg7[%add3A_78], %gather3A_75 : memref<51200xf32, #tpu.memory_space<vmem>>[vector<16xi32>], vector<16xf32>,
        %add3A_79 = arith.constant 6 : i32
        %add3A_80 = vector.broadcast %add3A_79 : i32 to vector<16xi32>
        %add3A_81 = arith.addi %mul3A_33, %add3A_80 : vector<16xi32>
        %gather3A_82 = tpu.vector_load_idx %arg6[%add3A_81] : memref<128xf32, #tpu.memory_space<vmem>>[vector<16xi32>], vector<16xf32>,
        %add3A_83 = arith.constant 6 : i32
        %add3A_84 = vector.broadcast %add3A_83 : i32 to vector<16xi32>
        %add3A_85 = arith.addi %add3A_37, %add3A_84 : vector<16xi32>
        tpu.vector_store_idx %arg7[%add3A_85], %gather3A_82 : memref<51200xf32, #tpu.memory_space<vmem>>[vector<16xi32>], vector<16xf32>,
        %add3A_86 = arith.constant 7 : i32
        %add3A_87 = vector.broadcast %add3A_86 : i32 to vector<16xi32>
        %add3A_88 = arith.addi %mul3A_33, %add3A_87 : vector<16xi32>
        %gather3A_89 = tpu.vector_load_idx %arg6[%add3A_88] : memref<128xf32, #tpu.memory_space<vmem>>[vector<16xi32>], vector<16xf32>,
        %add3A_90 = arith.constant 7 : i32
        %add3A_91 = vector.broadcast %add3A_90 : i32 to vector<16xi32>
        %add3A_92 = arith.addi %add3A_37, %add3A_91 : vector<16xi32>
        tpu.vector_store_idx %arg7[%add3A_92], %gather3A_89 : memref<51200xf32, #tpu.memory_space<vmem>>[vector<16xi32>], vector<16xf32>,
        %add3A_93 = arith.constant 8 : i32
        %add3A_94 = vector.broadcast %add3A_93 : i32 to vector<16xi32>
        %add3A_95 = arith.addi %mul3A_33, %add3A_94 : vector<16xi32>
        %gather3A_96 = tpu.vector_load_idx %arg6[%add3A_95] : memref<128xf32, #tpu.memory_space<vmem>>[vector<16xi32>], vector<16xf32>,
        %add3A_97 = arith.constant 8 : i32
        %add3A_98 = vector.broadcast %add3A_97 : i32 to vector<16xi32>
        %add3A_99 = arith.addi %add3A_37, %add3A_98 : vector<16xi32>
        tpu.vector_store_idx %arg7[%add3A_99], %gather3A_96 : memref<51200xf32, #tpu.memory_space<vmem>>[vector<16xi32>], vector<16xf32>,
        %add3A_100 = arith.constant 9 : i32
        %add3A_101 = vector.broadcast %add3A_100 : i32 to vector<16xi32>
        %add3A_102 = arith.addi %mul3A_33, %add3A_101 : vector<16xi32>
        %gather3A_103 = tpu.vector_load_idx %arg6[%add3A_102] : memref<128xf32, #tpu.memory_space<vmem>>[vector<16xi32>], vector<16xf32>,
        %add3A_104 = arith.constant 9 : i32
        %add3A_105 = vector.broadcast %add3A_104 : i32 to vector<16xi32>
        %add3A_106 = arith.addi %add3A_37, %add3A_105 : vector<16xi32>
        tpu.vector_store_idx %arg7[%add3A_106], %gather3A_103 : memref<51200xf32, #tpu.memory_space<vmem>>[vector<16xi32>], vector<16xf32>,
        %add3A_107 = arith.constant 10 : i32
        %add3A_108 = vector.broadcast %add3A_107 : i32 to vector<16xi32>
        %add3A_109 = arith.addi %mul3A_33, %add3A_108 : vector<16xi32>
        %gather3A_110 = tpu.vector_load_idx %arg6[%add3A_109] : memref<128xf32, #tpu.memory_space<vmem>>[vector<16xi32>], vector<16xf32>,
        %add3A_111 = arith.constant 10 : i32
        %add3A_112 = vector.broadcast %add3A_111 : i32 to vector<16xi32>
        %add3A_113 = arith.addi %add3A_37, %add3A_112 : vector<16xi32>
        tpu.vector_store_idx %arg7[%add3A_113], %gather3A_110 : memref<51200xf32, #tpu.memory_space<vmem>>[vector<16xi32>], vector<16xf32>,
        %add3A_114 = arith.constant 11 : i32
        %add3A_115 = vector.broadcast %add3A_114 : i32 to vector<16xi32>
        %add3A_116 = arith.addi %mul3A_33, %add3A_115 : vector<16xi32>
        %gather3A_117 = tpu.vector_load_idx %arg6[%add3A_116] : memref<128xf32, #tpu.memory_space<vmem>>[vector<16xi32>], vector<16xf32>,
        %add3A_118 = arith.constant 11 : i32
        %add3A_119 = vector.broadcast %add3A_118 : i32 to vector<16xi32>
        %add3A_120 = arith.addi %add3A_37, %add3A_119 : vector<16xi32>
        tpu.vector_store_idx %arg7[%add3A_120], %gather3A_117 : memref<51200xf32, #tpu.memory_space<vmem>>[vector<16xi32>], vector<16xf32>,
        %add3A_121 = arith.constant 12 : i32
        %add3A_122 = vector.broadcast %add3A_121 : i32 to vector<16xi32>
        %add3A_123 = arith.addi %mul3A_33, %add3A_122 : vector<16xi32>
        %gather3A_124 = tpu.vector_load_idx %arg6[%add3A_123] : memref<128xf32, #tpu.memory_space<vmem>>[vector<16xi32>], vector<16xf32>,
        %add3A_125 = arith.constant 12 : i32
        %add3A_126 = vector.broadcast %add3A_125 : i32 to vector<16xi32>
        %add3A_127 = arith.addi %add3A_37, %add3A_126 : vector<16xi32>
        tpu.vector_store_idx %arg7[%add3A_127], %gather3A_124 : memref<51200xf32, #tpu.memory_space<vmem>>[vector<16xi32>], vector<16xf32>,
        %add3A_128 = arith.constant 13 : i32
        %add3A_129 = vector.broadcast %add3A_128 : i32 to vector<16xi32>
        %add3A_130 = arith.addi %mul3A_33, %add3A_129 : vector<16xi32>
        %gather3A_131 = tpu.vector_load_idx %arg6[%add3A_130] : memref<128xf32, #tpu.memory_space<vmem>>[vector<16xi32>], vector<16xf32>,
        %add3A_132 = arith.constant 13 : i32
        %add3A_133 = vector.broadcast %add3A_132 : i32 to vector<16xi32>
        %add3A_134 = arith.addi %add3A_37, %add3A_133 : vector<16xi32>
        tpu.vector_store_idx %arg7[%add3A_134], %gather3A_131 : memref<51200xf32, #tpu.memory_space<vmem>>[vector<16xi32>], vector<16xf32>,
        %add3A_135 = arith.constant 14 : i32
        %add3A_136 = vector.broadcast %add3A_135 : i32 to vector<16xi32>
        %add3A_137 = arith.addi %mul3A_33, %add3A_136 : vector<16xi32>
        %gather3A_138 = tpu.vector_load_idx %arg6[%add3A_137] : memref<128xf32, #tpu.memory_space<vmem>>[vector<16xi32>], vector<16xf32>,
        %add3A_139 = arith.constant 14 : i32
        %add3A_140 = vector.broadcast %add3A_139 : i32 to vector<16xi32>
        %add3A_141 = arith.addi %add3A_37, %add3A_140 : vector<16xi32>
        tpu.vector_store_idx %arg7[%add3A_141], %gather3A_138 : memref<51200xf32, #tpu.memory_space<vmem>>[vector<16xi32>], vector<16xf32>,
        %add3A_142 = arith.constant 15 : i32
        %add3A_143 = vector.broadcast %add3A_142 : i32 to vector<16xi32>
        %add3A_144 = arith.addi %mul3A_33, %add3A_143 : vector<16xi32>
        %gather3A_145 = tpu.vector_load_idx %arg6[%add3A_144] : memref<128xf32, #tpu.memory_space<vmem>>[vector<16xi32>], vector<16xf32>,
        %add3A_146 = arith.constant 15 : i32
        %add3A_147 = vector.broadcast %add3A_146 : i32 to vector<16xi32>
        %add3A_148 = arith.addi %add3A_37, %add3A_147 : vector<16xi32>
        tpu.vector_store_idx %arg7[%add3A_148], %gather3A_145 : memref<51200xf32, #tpu.memory_space<vmem>>[vector<16xi32>], vector<16xf32>,
        %add3A_149 = arith.constant 16 : i32
        %add3A_150 = vector.broadcast %add3A_149 : i32 to vector<16xi32>
        %add3A_151 = arith.addi %mul3A_33, %add3A_150 : vector<16xi32>
        %gather3A_152 = tpu.vector_load_idx %arg6[%add3A_151] : memref<128xf32, #tpu.memory_space<vmem>>[vector<16xi32>], vector<16xf32>,
        %add3A_153 = arith.constant 16 : i32
        %add3A_154 = vector.broadcast %add3A_153 : i32 to vector<16xi32>
        %add3A_155 = arith.addi %add3A_37, %add3A_154 : vector<16xi32>
        tpu.vector_store_idx %arg7[%add3A_155], %gather3A_152 : memref<51200xf32, #tpu.memory_space<vmem>>[vector<16xi32>], vector<16xf32>,
        %add3A_156 = arith.constant 17 : i32
        %add3A_157 = vector.broadcast %add3A_156 : i32 to vector<16xi32>
        %add3A_158 = arith.addi %mul3A_33, %add3A_157 : vector<16xi32>
        %gather3A_159 = tpu.vector_load_idx %arg6[%add3A_158] : memref<128xf32, #tpu.memory_space<vmem>>[vector<16xi32>], vector<16xf32>,
        %add3A_160 = arith.constant 17 : i32
        %add3A_161 = vector.broadcast %add3A_160 : i32 to vector<16xi32>
        %add3A_162 = arith.addi %add3A_37, %add3A_161 : vector<16xi32>
        tpu.vector_store_idx %arg7[%add3A_162], %gather3A_159 : memref<51200xf32, #tpu.memory_space<vmem>>[vector<16xi32>], vector<16xf32>,
        %add3A_163 = arith.constant 18 : i32
        %add3A_164 = vector.broadcast %add3A_163 : i32 to vector<16xi32>
        %add3A_165 = arith.addi %mul3A_33, %add3A_164 : vector<16xi32>
        %gather3A_166 = tpu.vector_load_idx %arg6[%add3A_165] : memref<128xf32, #tpu.memory_space<vmem>>[vector<16xi32>], vector<16xf32>,
        %add3A_167 = arith.constant 18 : i32
        %add3A_168 = vector.broadcast %add3A_167 : i32 to vector<16xi32>
        %add3A_169 = arith.addi %add3A_37, %add3A_168 : vector<16xi32>
        tpu.vector_store_idx %arg7[%add3A_169], %gather3A_166 : memref<51200xf32, #tpu.memory_space<vmem>>[vector<16xi32>], vector<16xf32>,
        %add3A_170 = arith.constant 19 : i32
        %add3A_171 = vector.broadcast %add3A_170 : i32 to vector<16xi32>
        %add3A_172 = arith.addi %mul3A_33, %add3A_171 : vector<16xi32>
        %gather3A_173 = tpu.vector_load_idx %arg6[%add3A_172] : memref<128xf32, #tpu.memory_space<vmem>>[vector<16xi32>], vector<16xf32>,
        %add3A_174 = arith.constant 19 : i32
        %add3A_175 = vector.broadcast %add3A_174 : i32 to vector<16xi32>
        %add3A_176 = arith.addi %add3A_37, %add3A_175 : vector<16xi32>
        tpu.vector_store_idx %arg7[%add3A_176], %gather3A_173 : memref<51200xf32, #tpu.memory_space<vmem>>[vector<16xi32>], vector<16xf32>,
        %add3A_177 = arith.constant 20 : i32
        %add3A_178 = vector.broadcast %add3A_177 : i32 to vector<16xi32>
        %add3A_179 = arith.addi %mul3A_33, %add3A_178 : vector<16xi32>
        %gather3A_180 = tpu.vector_load_idx %arg6[%add3A_179] : memref<128xf32, #tpu.memory_space<vmem>>[vector<16xi32>], vector<16xf32>,
        %add3A_181 = arith.constant 20 : i32
        %add3A_182 = vector.broadcast %add3A_181 : i32 to vector<16xi32>
        %add3A_183 = arith.addi %add3A_37, %add3A_182 : vector<16xi32>
        tpu.vector_store_idx %arg7[%add3A_183], %gather3A_180 : memref<51200xf32, #tpu.memory_space<vmem>>[vector<16xi32>], vector<16xf32>,
        %add3A_184 = arith.constant 21 : i32
        %add3A_185 = vector.broadcast %add3A_184 : i32 to vector<16xi32>
        %add3A_186 = arith.addi %mul3A_33, %add3A_185 : vector<16xi32>
        %gather3A_187 = tpu.vector_load_idx %arg6[%add3A_186] : memref<128xf32, #tpu.memory_space<vmem>>[vector<16xi32>], vector<16xf32>,
        %add3A_188 = arith.constant 21 : i32
        %add3A_189 = vector.broadcast %add3A_188 : i32 to vector<16xi32>
        %add3A_190 = arith.addi %add3A_37, %add3A_189 : vector<16xi32>
        tpu.vector_store_idx %arg7[%add3A_190], %gather3A_187 : memref<51200xf32, #tpu.memory_space<vmem>>[vector<16xi32>], vector<16xf32>,
        %add3A_191 = arith.constant 22 : i32
        %add3A_192 = vector.broadcast %add3A_191 : i32 to vector<16xi32>
        %add3A_193 = arith.addi %mul3A_33, %add3A_192 : vector<16xi32>
        %gather3A_194 = tpu.vector_load_idx %arg6[%add3A_193] : memref<128xf32, #tpu.memory_space<vmem>>[vector<16xi32>], vector<16xf32>,
        %add3A_195 = arith.constant 22 : i32
        %add3A_196 = vector.broadcast %add3A_195 : i32 to vector<16xi32>
        %add3A_197 = arith.addi %add3A_37, %add3A_196 : vector<16xi32>
        tpu.vector_store_idx %arg7[%add3A_197], %gather3A_194 : memref<51200xf32, #tpu.memory_space<vmem>>[vector<16xi32>], vector<16xf32>,
        %add3A_198 = arith.constant 23 : i32
        %add3A_199 = vector.broadcast %add3A_198 : i32 to vector<16xi32>
        %add3A_200 = arith.addi %mul3A_33, %add3A_199 : vector<16xi32>
        %gather3A_201 = tpu.vector_load_idx %arg6[%add3A_200] : memref<128xf32, #tpu.memory_space<vmem>>[vector<16xi32>], vector<16xf32>,
        %add3A_202 = arith.constant 23 : i32
        %add3A_203 = vector.broadcast %add3A_202 : i32 to vector<16xi32>
        %add3A_204 = arith.addi %add3A_37, %add3A_203 : vector<16xi32>
        tpu.vector_store_idx %arg7[%add3A_204], %gather3A_201 : memref<51200xf32, #tpu.memory_space<vmem>>[vector<16xi32>], vector<16xf32>,
        %add3A_205 = arith.constant 24 : i32
        %add3A_206 = vector.broadcast %add3A_205 : i32 to vector<16xi32>
        %add3A_207 = arith.addi %mul3A_33, %add3A_206 : vector<16xi32>
        %gather3A_208 = tpu.vector_load_idx %arg6[%add3A_207] : memref<128xf32, #tpu.memory_space<vmem>>[vector<16xi32>], vector<16xf32>,
        %add3A_209 = arith.constant 24 : i32
        %add3A_210 = vector.broadcast %add3A_209 : i32 to vector<16xi32>
        %add3A_211 = arith.addi %add3A_37, %add3A_210 : vector<16xi32>
        tpu.vector_store_idx %arg7[%add3A_211], %gather3A_208 : memref<51200xf32, #tpu.memory_space<vmem>>[vector<16xi32>], vector<16xf32>,
        %add3A_212 = arith.constant 25 : i32
        %add3A_213 = vector.broadcast %add3A_212 : i32 to vector<16xi32>
        %add3A_214 = arith.addi %mul3A_33, %add3A_213 : vector<16xi32>
        %gather3A_215 = tpu.vector_load_idx %arg6[%add3A_214] : memref<128xf32, #tpu.memory_space<vmem>>[vector<16xi32>], vector<16xf32>,
        %add3A_216 = arith.constant 25 : i32
        %add3A_217 = vector.broadcast %add3A_216 : i32 to vector<16xi32>
        %add3A_218 = arith.addi %add3A_37, %add3A_217 : vector<16xi32>
        tpu.vector_store_idx %arg7[%add3A_218], %gather3A_215 : memref<51200xf32, #tpu.memory_space<vmem>>[vector<16xi32>], vector<16xf32>,
        %add3A_219 = arith.constant 26 : i32
        %add3A_220 = vector.broadcast %add3A_219 : i32 to vector<16xi32>
        %add3A_221 = arith.addi %mul3A_33, %add3A_220 : vector<16xi32>
        %gather3A_222 = tpu.vector_load_idx %arg6[%add3A_221] : memref<128xf32, #tpu.memory_space<vmem>>[vector<16xi32>], vector<16xf32>,
        %add3A_223 = arith.constant 26 : i32
        %add3A_224 = vector.broadcast %add3A_223 : i32 to vector<16xi32>
        %add3A_225 = arith.addi %add3A_37, %add3A_224 : vector<16xi32>
        tpu.vector_store_idx %arg7[%add3A_225], %gather3A_222 : memref<51200xf32, #tpu.memory_space<vmem>>[vector<16xi32>], vector<16xf32>,
        %add3A_226 = arith.constant 27 : i32
        %add3A_227 = vector.broadcast %add3A_226 : i32 to vector<16xi32>
        %add3A_228 = arith.addi %mul3A_33, %add3A_227 : vector<16xi32>
        %gather3A_229 = tpu.vector_load_idx %arg6[%add3A_228] : memref<128xf32, #tpu.memory_space<vmem>>[vector<16xi32>], vector<16xf32>,
        %add3A_230 = arith.constant 27 : i32
        %add3A_231 = vector.broadcast %add3A_230 : i32 to vector<16xi32>
        %add3A_232 = arith.addi %add3A_37, %add3A_231 : vector<16xi32>
        tpu.vector_store_idx %arg7[%add3A_232], %gather3A_229 : memref<51200xf32, #tpu.memory_space<vmem>>[vector<16xi32>], vector<16xf32>,
        %add3A_233 = arith.constant 28 : i32
        %add3A_234 = vector.broadcast %add3A_233 : i32 to vector<16xi32>
        %add3A_235 = arith.addi %mul3A_33, %add3A_234 : vector<16xi32>
        %gather3A_236 = tpu.vector_load_idx %arg6[%add3A_235] : memref<128xf32, #tpu.memory_space<vmem>>[vector<16xi32>], vector<16xf32>,
        %add3A_237 = arith.constant 28 : i32
        %add3A_238 = vector.broadcast %add3A_237 : i32 to vector<16xi32>
        %add3A_239 = arith.addi %add3A_37, %add3A_238 : vector<16xi32>
        tpu.vector_store_idx %arg7[%add3A_239], %gather3A_236 : memref<51200xf32, #tpu.memory_space<vmem>>[vector<16xi32>], vector<16xf32>,
        %add3A_240 = arith.constant 29 : i32
        %add3A_241 = vector.broadcast %add3A_240 : i32 to vector<16xi32>
        %add3A_242 = arith.addi %mul3A_33, %add3A_241 : vector<16xi32>
        %gather3A_243 = tpu.vector_load_idx %arg6[%add3A_242] : memref<128xf32, #tpu.memory_space<vmem>>[vector<16xi32>], vector<16xf32>,
        %add3A_244 = arith.constant 29 : i32
        %add3A_245 = vector.broadcast %add3A_244 : i32 to vector<16xi32>
        %add3A_246 = arith.addi %add3A_37, %add3A_245 : vector<16xi32>
        tpu.vector_store_idx %arg7[%add3A_246], %gather3A_243 : memref<51200xf32, #tpu.memory_space<vmem>>[vector<16xi32>], vector<16xf32>,
        %add3A_247 = arith.constant 30 : i32
        %add3A_248 = vector.broadcast %add3A_247 : i32 to vector<16xi32>
        %add3A_249 = arith.addi %mul3A_33, %add3A_248 : vector<16xi32>
        %gather3A_250 = tpu.vector_load_idx %arg6[%add3A_249] : memref<128xf32, #tpu.memory_space<vmem>>[vector<16xi32>], vector<16xf32>,
        %add3A_251 = arith.constant 30 : i32
        %add3A_252 = vector.broadcast %add3A_251 : i32 to vector<16xi32>
        %add3A_253 = arith.addi %add3A_37, %add3A_252 : vector<16xi32>
        tpu.vector_store_idx %arg7[%add3A_253], %gather3A_250 : memref<51200xf32, #tpu.memory_space<vmem>>[vector<16xi32>], vector<16xf32>,
        %add3A_254 = arith.constant 31 : i32
        %add3A_255 = vector.broadcast %add3A_254 : i32 to vector<16xi32>
        %add3A_256 = arith.addi %mul3A_33, %add3A_255 : vector<16xi32>
        %gather3A_257 = tpu.vector_load_idx %arg6[%add3A_256] : memref<128xf32, #tpu.memory_space<vmem>>[vector<16xi32>], vector<16xf32>,
        %add3A_258 = arith.constant 31 : i32
        %add3A_259 = vector.broadcast %add3A_258 : i32 to vector<16xi32>
        %add3A_260 = arith.addi %add3A_37, %add3A_259 : vector<16xi32>
        tpu.vector_store_idx %arg7[%add3A_260], %gather3A_257 : memref<51200xf32, #tpu.memory_space<vmem>>[vector<16xi32>], vector<16xf32>,
        %add3A_261 = arith.constant 32 : i32
        %add3A_262 = vector.broadcast %add3A_261 : i32 to vector<16xi32>
        %add3A_263 = arith.addi %mul3A_33, %add3A_262 : vector<16xi32>
        %gather3A_264 = tpu.vector_load_idx %arg6[%add3A_263] : memref<128xf32, #tpu.memory_space<vmem>>[vector<16xi32>], vector<16xf32>,
        %add3A_265 = arith.constant 32 : i32
        %add3A_266 = vector.broadcast %add3A_265 : i32 to vector<16xi32>
        %add3A_267 = arith.addi %add3A_37, %add3A_266 : vector<16xi32>
        tpu.vector_store_idx %arg7[%add3A_267], %gather3A_264 : memref<51200xf32, #tpu.memory_space<vmem>>[vector<16xi32>], vector<16xf32>,
        %add3A_268 = arith.constant 33 : i32
        %add3A_269 = vector.broadcast %add3A_268 : i32 to vector<16xi32>
        %add3A_270 = arith.addi %mul3A_33, %add3A_269 : vector<16xi32>
        %gather3A_271 = tpu.vector_load_idx %arg6[%add3A_270] : memref<128xf32, #tpu.memory_space<vmem>>[vector<16xi32>], vector<16xf32>,
        %add3A_272 = arith.constant 33 : i32
        %add3A_273 = vector.broadcast %add3A_272 : i32 to vector<16xi32>
        %add3A_274 = arith.addi %add3A_37, %add3A_273 : vector<16xi32>
        tpu.vector_store_idx %arg7[%add3A_274], %gather3A_271 : memref<51200xf32, #tpu.memory_space<vmem>>[vector<16xi32>], vector<16xf32>,
        %add3A_275 = arith.constant 34 : i32
        %add3A_276 = vector.broadcast %add3A_275 : i32 to vector<16xi32>
        %add3A_277 = arith.addi %mul3A_33, %add3A_276 : vector<16xi32>
        %gather3A_278 = tpu.vector_load_idx %arg6[%add3A_277] : memref<128xf32, #tpu.memory_space<vmem>>[vector<16xi32>], vector<16xf32>,
        %add3A_279 = arith.constant 34 : i32
        %add3A_280 = vector.broadcast %add3A_279 : i32 to vector<16xi32>
        %add3A_281 = arith.addi %add3A_37, %add3A_280 : vector<16xi32>
        tpu.vector_store_idx %arg7[%add3A_281], %gather3A_278 : memref<51200xf32, #tpu.memory_space<vmem>>[vector<16xi32>], vector<16xf32>,
        %add3A_282 = arith.constant 35 : i32
        %add3A_283 = vector.broadcast %add3A_282 : i32 to vector<16xi32>
        %add3A_284 = arith.addi %mul3A_33, %add3A_283 : vector<16xi32>
        %gather3A_285 = tpu.vector_load_idx %arg6[%add3A_284] : memref<128xf32, #tpu.memory_space<vmem>>[vector<16xi32>], vector<16xf32>,
        %add3A_286 = arith.constant 35 : i32
        %add3A_287 = vector.broadcast %add3A_286 : i32 to vector<16xi32>
        %add3A_288 = arith.addi %add3A_37, %add3A_287 : vector<16xi32>
        tpu.vector_store_idx %arg7[%add3A_288], %gather3A_285 : memref<51200xf32, #tpu.memory_space<vmem>>[vector<16xi32>], vector<16xf32>,
        %add3A_289 = arith.constant 36 : i32
        %add3A_290 = vector.broadcast %add3A_289 : i32 to vector<16xi32>
        %add3A_291 = arith.addi %mul3A_33, %add3A_290 : vector<16xi32>
        %gather3A_292 = tpu.vector_load_idx %arg6[%add3A_291] : memref<128xf32, #tpu.memory_space<vmem>>[vector<16xi32>], vector<16xf32>,
        %add3A_293 = arith.constant 36 : i32
        %add3A_294 = vector.broadcast %add3A_293 : i32 to vector<16xi32>
        %add3A_295 = arith.addi %add3A_37, %add3A_294 : vector<16xi32>
        tpu.vector_store_idx %arg7[%add3A_295], %gather3A_292 : memref<51200xf32, #tpu.memory_space<vmem>>[vector<16xi32>], vector<16xf32>,
        %add3A_296 = arith.constant 37 : i32
        %add3A_297 = vector.broadcast %add3A_296 : i32 to vector<16xi32>
        %add3A_298 = arith.addi %mul3A_33, %add3A_297 : vector<16xi32>
        %gather3A_299 = tpu.vector_load_idx %arg6[%add3A_298] : memref<128xf32, #tpu.memory_space<vmem>>[vector<16xi32>], vector<16xf32>,
        %add3A_300 = arith.constant 37 : i32
        %add3A_301 = vector.broadcast %add3A_300 : i32 to vector<16xi32>
        %add3A_302 = arith.addi %add3A_37, %add3A_301 : vector<16xi32>
        tpu.vector_store_idx %arg7[%add3A_302], %gather3A_299 : memref<51200xf32, #tpu.memory_space<vmem>>[vector<16xi32>], vector<16xf32>,
        %add3A_303 = arith.constant 38 : i32
        %add3A_304 = vector.broadcast %add3A_303 : i32 to vector<16xi32>
        %add3A_305 = arith.addi %mul3A_33, %add3A_304 : vector<16xi32>
        %gather3A_306 = tpu.vector_load_idx %arg6[%add3A_305] : memref<128xf32, #tpu.memory_space<vmem>>[vector<16xi32>], vector<16xf32>,
        %add3A_307 = arith.constant 38 : i32
        %add3A_308 = vector.broadcast %add3A_307 : i32 to vector<16xi32>
        %add3A_309 = arith.addi %add3A_37, %add3A_308 : vector<16xi32>
        tpu.vector_store_idx %arg7[%add3A_309], %gather3A_306 : memref<51200xf32, #tpu.memory_space<vmem>>[vector<16xi32>], vector<16xf32>,
        %add3A_310 = arith.constant 39 : i32
        %add3A_311 = vector.broadcast %add3A_310 : i32 to vector<16xi32>
        %add3A_312 = arith.addi %mul3A_33, %add3A_311 : vector<16xi32>
        %gather3A_313 = tpu.vector_load_idx %arg6[%add3A_312] : memref<128xf32, #tpu.memory_space<vmem>>[vector<16xi32>], vector<16xf32>,
        %add3A_314 = arith.constant 39 : i32
        %add3A_315 = vector.broadcast %add3A_314 : i32 to vector<16xi32>
        %add3A_316 = arith.addi %add3A_37, %add3A_315 : vector<16xi32>
        tpu.vector_store_idx %arg7[%add3A_316], %gather3A_313 : memref<51200xf32, #tpu.memory_space<vmem>>[vector<16xi32>], vector<16xf32>,
        %add3A_317 = arith.constant 40 : i32
        %add3A_318 = vector.broadcast %add3A_317 : i32 to vector<16xi32>
        %add3A_319 = arith.addi %mul3A_33, %add3A_318 : vector<16xi32>
        %gather3A_320 = tpu.vector_load_idx %arg6[%add3A_319] : memref<128xf32, #tpu.memory_space<vmem>>[vector<16xi32>], vector<16xf32>,
        %add3A_321 = arith.constant 40 : i32
        %add3A_322 = vector.broadcast %add3A_321 : i32 to vector<16xi32>
        %add3A_323 = arith.addi %add3A_37, %add3A_322 : vector<16xi32>
        tpu.vector_store_idx %arg7[%add3A_323], %gather3A_320 : memref<51200xf32, #tpu.memory_space<vmem>>[vector<16xi32>], vector<16xf32>,
        %add3A_324 = arith.constant 41 : i32
        %add3A_325 = vector.broadcast %add3A_324 : i32 to vector<16xi32>
        %add3A_326 = arith.addi %mul3A_33, %add3A_325 : vector<16xi32>
        %gather3A_327 = tpu.vector_load_idx %arg6[%add3A_326] : memref<128xf32, #tpu.memory_space<vmem>>[vector<16xi32>], vector<16xf32>,
        %add3A_328 = arith.constant 41 : i32
        %add3A_329 = vector.broadcast %add3A_328 : i32 to vector<16xi32>
        %add3A_330 = arith.addi %add3A_37, %add3A_329 : vector<16xi32>
        tpu.vector_store_idx %arg7[%add3A_330], %gather3A_327 : memref<51200xf32, #tpu.memory_space<vmem>>[vector<16xi32>], vector<16xf32>,
        %add3A_331 = arith.constant 42 : i32
        %add3A_332 = vector.broadcast %add3A_331 : i32 to vector<16xi32>
        %add3A_333 = arith.addi %mul3A_33, %add3A_332 : vector<16xi32>
        %gather3A_334 = tpu.vector_load_idx %arg6[%add3A_333] : memref<128xf32, #tpu.memory_space<vmem>>[vector<16xi32>], vector<16xf32>,
        %add3A_335 = arith.constant 42 : i32
        %add3A_336 = vector.broadcast %add3A_335 : i32 to vector<16xi32>
        %add3A_337 = arith.addi %add3A_37, %add3A_336 : vector<16xi32>
        tpu.vector_store_idx %arg7[%add3A_337], %gather3A_334 : memref<51200xf32, #tpu.memory_space<vmem>>[vector<16xi32>], vector<16xf32>,
        %add3A_338 = arith.constant 43 : i32
        %add3A_339 = vector.broadcast %add3A_338 : i32 to vector<16xi32>
        %add3A_340 = arith.addi %mul3A_33, %add3A_339 : vector<16xi32>
        %gather3A_341 = tpu.vector_load_idx %arg6[%add3A_340] : memref<128xf32, #tpu.memory_space<vmem>>[vector<16xi32>], vector<16xf32>,
        %add3A_342 = arith.constant 43 : i32
        %add3A_343 = vector.broadcast %add3A_342 : i32 to vector<16xi32>
        %add3A_344 = arith.addi %add3A_37, %add3A_343 : vector<16xi32>
        tpu.vector_store_idx %arg7[%add3A_344], %gather3A_341 : memref<51200xf32, #tpu.memory_space<vmem>>[vector<16xi32>], vector<16xf32>,
        %add3A_345 = arith.constant 44 : i32
        %add3A_346 = vector.broadcast %add3A_345 : i32 to vector<16xi32>
        %add3A_347 = arith.addi %mul3A_33, %add3A_346 : vector<16xi32>
        %gather3A_348 = tpu.vector_load_idx %arg6[%add3A_347] : memref<128xf32, #tpu.memory_space<vmem>>[vector<16xi32>], vector<16xf32>,
        %add3A_349 = arith.constant 44 : i32
        %add3A_350 = vector.broadcast %add3A_349 : i32 to vector<16xi32>
        %add3A_351 = arith.addi %add3A_37, %add3A_350 : vector<16xi32>
        tpu.vector_store_idx %arg7[%add3A_351], %gather3A_348 : memref<51200xf32, #tpu.memory_space<vmem>>[vector<16xi32>], vector<16xf32>,
        %add3A_352 = arith.constant 45 : i32
        %add3A_353 = vector.broadcast %add3A_352 : i32 to vector<16xi32>
        %add3A_354 = arith.addi %mul3A_33, %add3A_353 : vector<16xi32>
        %gather3A_355 = tpu.vector_load_idx %arg6[%add3A_354] : memref<128xf32, #tpu.memory_space<vmem>>[vector<16xi32>], vector<16xf32>,
        %add3A_356 = arith.constant 45 : i32
        %add3A_357 = vector.broadcast %add3A_356 : i32 to vector<16xi32>
        %add3A_358 = arith.addi %add3A_37, %add3A_357 : vector<16xi32>
        tpu.vector_store_idx %arg7[%add3A_358], %gather3A_355 : memref<51200xf32, #tpu.memory_space<vmem>>[vector<16xi32>], vector<16xf32>,
        %add3A_359 = arith.constant 46 : i32
        %add3A_360 = vector.broadcast %add3A_359 : i32 to vector<16xi32>
        %add3A_361 = arith.addi %mul3A_33, %add3A_360 : vector<16xi32>
        %gather3A_362 = tpu.vector_load_idx %arg6[%add3A_361] : memref<128xf32, #tpu.memory_space<vmem>>[vector<16xi32>], vector<16xf32>,
        %add3A_363 = arith.constant 46 : i32
        %add3A_364 = vector.broadcast %add3A_363 : i32 to vector<16xi32>
        %add3A_365 = arith.addi %add3A_37, %add3A_364 : vector<16xi32>
        tpu.vector_store_idx %arg7[%add3A_365], %gather3A_362 : memref<51200xf32, #tpu.memory_space<vmem>>[vector<16xi32>], vector<16xf32>,
        %add3A_366 = arith.constant 47 : i32
        %add3A_367 = vector.broadcast %add3A_366 : i32 to vector<16xi32>
        %add3A_368 = arith.addi %mul3A_33, %add3A_367 : vector<16xi32>
        %gather3A_369 = tpu.vector_load_idx %arg6[%add3A_368] : memref<128xf32, #tpu.memory_space<vmem>>[vector<16xi32>], vector<16xf32>,
        %add3A_370 = arith.constant 47 : i32
        %add3A_371 = vector.broadcast %add3A_370 : i32 to vector<16xi32>
        %add3A_372 = arith.addi %add3A_37, %add3A_371 : vector<16xi32>
        tpu.vector_store_idx %arg7[%add3A_372], %gather3A_369 : memref<51200xf32, #tpu.memory_space<vmem>>[vector<16xi32>], vector<16xf32>,
        %add3A_373 = arith.constant 48 : i32
        %add3A_374 = vector.broadcast %add3A_373 : i32 to vector<16xi32>
        %add3A_375 = arith.addi %mul3A_33, %add3A_374 : vector<16xi32>
        %gather3A_376 = tpu.vector_load_idx %arg6[%add3A_375] : memref<128xf32, #tpu.memory_space<vmem>>[vector<16xi32>], vector<16xf32>,
        %add3A_377 = arith.constant 48 : i32
        %add3A_378 = vector.broadcast %add3A_377 : i32 to vector<16xi32>
        %add3A_379 = arith.addi %add3A_37, %add3A_378 : vector<16xi32>
        tpu.vector_store_idx %arg7[%add3A_379], %gather3A_376 : memref<51200xf32, #tpu.memory_space<vmem>>[vector<16xi32>], vector<16xf32>,
        %add3A_380 = arith.constant 49 : i32
        %add3A_381 = vector.broadcast %add3A_380 : i32 to vector<16xi32>
        %add3A_382 = arith.addi %mul3A_33, %add3A_381 : vector<16xi32>
        %gather3A_383 = tpu.vector_load_idx %arg6[%add3A_382] : memref<128xf32, #tpu.memory_space<vmem>>[vector<16xi32>], vector<16xf32>,
        %add3A_384 = arith.constant 49 : i32
        %add3A_385 = vector.broadcast %add3A_384 : i32 to vector<16xi32>
        %add3A_386 = arith.addi %add3A_37, %add3A_385 : vector<16xi32>
        tpu.vector_store_idx %arg7[%add3A_386], %gather3A_383 : memref<51200xf32, #tpu.memory_space<vmem>>[vector<16xi32>], vector<16xf32>,
        %add3A_387 = arith.constant 50 : i32
        %add3A_388 = vector.broadcast %add3A_387 : i32 to vector<16xi32>
        %add3A_389 = arith.addi %mul3A_33, %add3A_388 : vector<16xi32>
        %gather3A_390 = tpu.vector_load_idx %arg6[%add3A_389] : memref<128xf32, #tpu.memory_space<vmem>>[vector<16xi32>], vector<16xf32>,
        %add3A_391 = arith.constant 50 : i32
        %add3A_392 = vector.broadcast %add3A_391 : i32 to vector<16xi32>
        %add3A_393 = arith.addi %add3A_37, %add3A_392 : vector<16xi32>
        tpu.vector_store_idx %arg7[%add3A_393], %gather3A_390 : memref<51200xf32, #tpu.memory_space<vmem>>[vector<16xi32>], vector<16xf32>,
        %add3A_394 = arith.constant 51 : i32
        %add3A_395 = vector.broadcast %add3A_394 : i32 to vector<16xi32>
        %add3A_396 = arith.addi %mul3A_33, %add3A_395 : vector<16xi32>
        %gather3A_397 = tpu.vector_load_idx %arg6[%add3A_396] : memref<128xf32, #tpu.memory_space<vmem>>[vector<16xi32>], vector<16xf32>,
        %add3A_398 = arith.constant 51 : i32
        %add3A_399 = vector.broadcast %add3A_398 : i32 to vector<16xi32>
        %add3A_400 = arith.addi %add3A_37, %add3A_399 : vector<16xi32>
        tpu.vector_store_idx %arg7[%add3A_400], %gather3A_397 : memref<51200xf32, #tpu.memory_space<vmem>>[vector<16xi32>], vector<16xf32>,
        %add3A_401 = arith.constant 52 : i32
        %add3A_402 = vector.broadcast %add3A_401 : i32 to vector<16xi32>
        %add3A_403 = arith.addi %mul3A_33, %add3A_402 : vector<16xi32>
        %gather3A_404 = tpu.vector_load_idx %arg6[%add3A_403] : memref<128xf32, #tpu.memory_space<vmem>>[vector<16xi32>], vector<16xf32>,
        %add3A_405 = arith.constant 52 : i32
        %add3A_406 = vector.broadcast %add3A_405 : i32 to vector<16xi32>
        %add3A_407 = arith.addi %add3A_37, %add3A_406 : vector<16xi32>
        tpu.vector_store_idx %arg7[%add3A_407], %gather3A_404 : memref<51200xf32, #tpu.memory_space<vmem>>[vector<16xi32>], vector<16xf32>,
        %add3A_408 = arith.constant 53 : i32
        %add3A_409 = vector.broadcast %add3A_408 : i32 to vector<16xi32>
        %add3A_410 = arith.addi %mul3A_33, %add3A_409 : vector<16xi32>
        %gather3A_411 = tpu.vector_load_idx %arg6[%add3A_410] : memref<128xf32, #tpu.memory_space<vmem>>[vector<16xi32>], vector<16xf32>,
        %add3A_412 = arith.constant 53 : i32
        %add3A_413 = vector.broadcast %add3A_412 : i32 to vector<16xi32>
        %add3A_414 = arith.addi %add3A_37, %add3A_413 : vector<16xi32>
        tpu.vector_store_idx %arg7[%add3A_414], %gather3A_411 : memref<51200xf32, #tpu.memory_space<vmem>>[vector<16xi32>], vector<16xf32>,
        %add3A_415 = arith.constant 54 : i32
        %add3A_416 = vector.broadcast %add3A_415 : i32 to vector<16xi32>
        %add3A_417 = arith.addi %mul3A_33, %add3A_416 : vector<16xi32>
        %gather3A_418 = tpu.vector_load_idx %arg6[%add3A_417] : memref<128xf32, #tpu.memory_space<vmem>>[vector<16xi32>], vector<16xf32>,
        %add3A_419 = arith.constant 54 : i32
        %add3A_420 = vector.broadcast %add3A_419 : i32 to vector<16xi32>
        %add3A_421 = arith.addi %add3A_37, %add3A_420 : vector<16xi32>
        tpu.vector_store_idx %arg7[%add3A_421], %gather3A_418 : memref<51200xf32, #tpu.memory_space<vmem>>[vector<16xi32>], vector<16xf32>,
        %add3A_422 = arith.constant 55 : i32
        %add3A_423 = vector.broadcast %add3A_422 : i32 to vector<16xi32>
        %add3A_424 = arith.addi %mul3A_33, %add3A_423 : vector<16xi32>
        %gather3A_425 = tpu.vector_load_idx %arg6[%add3A_424] : memref<128xf32, #tpu.memory_space<vmem>>[vector<16xi32>], vector<16xf32>,
        %add3A_426 = arith.constant 55 : i32
        %add3A_427 = vector.broadcast %add3A_426 : i32 to vector<16xi32>
        %add3A_428 = arith.addi %add3A_37, %add3A_427 : vector<16xi32>
        tpu.vector_store_idx %arg7[%add3A_428], %gather3A_425 : memref<51200xf32, #tpu.memory_space<vmem>>[vector<16xi32>], vector<16xf32>,
        %add3A_429 = arith.constant 56 : i32
        %add3A_430 = vector.broadcast %add3A_429 : i32 to vector<16xi32>
        %add3A_431 = arith.addi %mul3A_33, %add3A_430 : vector<16xi32>
        %gather3A_432 = tpu.vector_load_idx %arg6[%add3A_431] : memref<128xf32, #tpu.memory_space<vmem>>[vector<16xi32>], vector<16xf32>,
        %add3A_433 = arith.constant 56 : i32
        %add3A_434 = vector.broadcast %add3A_433 : i32 to vector<16xi32>
        %add3A_435 = arith.addi %add3A_37, %add3A_434 : vector<16xi32>
        tpu.vector_store_idx %arg7[%add3A_435], %gather3A_432 : memref<51200xf32, #tpu.memory_space<vmem>>[vector<16xi32>], vector<16xf32>,
        %add3A_436 = arith.constant 57 : i32
        %add3A_437 = vector.broadcast %add3A_436 : i32 to vector<16xi32>
        %add3A_438 = arith.addi %mul3A_33, %add3A_437 : vector<16xi32>
        %gather3A_439 = tpu.vector_load_idx %arg6[%add3A_438] : memref<128xf32, #tpu.memory_space<vmem>>[vector<16xi32>], vector<16xf32>,
        %add3A_440 = arith.constant 57 : i32
        %add3A_441 = vector.broadcast %add3A_440 : i32 to vector<16xi32>
        %add3A_442 = arith.addi %add3A_37, %add3A_441 : vector<16xi32>
        tpu.vector_store_idx %arg7[%add3A_442], %gather3A_439 : memref<51200xf32, #tpu.memory_space<vmem>>[vector<16xi32>], vector<16xf32>,
        %add3A_443 = arith.constant 58 : i32
        %add3A_444 = vector.broadcast %add3A_443 : i32 to vector<16xi32>
        %add3A_445 = arith.addi %mul3A_33, %add3A_444 : vector<16xi32>
        %gather3A_446 = tpu.vector_load_idx %arg6[%add3A_445] : memref<128xf32, #tpu.memory_space<vmem>>[vector<16xi32>], vector<16xf32>,
        %add3A_447 = arith.constant 58 : i32
        %add3A_448 = vector.broadcast %add3A_447 : i32 to vector<16xi32>
        %add3A_449 = arith.addi %add3A_37, %add3A_448 : vector<16xi32>
        tpu.vector_store_idx %arg7[%add3A_449], %gather3A_446 : memref<51200xf32, #tpu.memory_space<vmem>>[vector<16xi32>], vector<16xf32>,
        %add3A_450 = arith.constant 59 : i32
        %add3A_451 = vector.broadcast %add3A_450 : i32 to vector<16xi32>
        %add3A_452 = arith.addi %mul3A_33, %add3A_451 : vector<16xi32>
        %gather3A_453 = tpu.vector_load_idx %arg6[%add3A_452] : memref<128xf32, #tpu.memory_space<vmem>>[vector<16xi32>], vector<16xf32>,
        %add3A_454 = arith.constant 59 : i32
        %add3A_455 = vector.broadcast %add3A_454 : i32 to vector<16xi32>
        %add3A_456 = arith.addi %add3A_37, %add3A_455 : vector<16xi32>
        tpu.vector_store_idx %arg7[%add3A_456], %gather3A_453 : memref<51200xf32, #tpu.memory_space<vmem>>[vector<16xi32>], vector<16xf32>,
        %add3A_457 = arith.constant 60 : i32
        %add3A_458 = vector.broadcast %add3A_457 : i32 to vector<16xi32>
        %add3A_459 = arith.addi %mul3A_33, %add3A_458 : vector<16xi32>
        %gather3A_460 = tpu.vector_load_idx %arg6[%add3A_459] : memref<128xf32, #tpu.memory_space<vmem>>[vector<16xi32>], vector<16xf32>,
        %add3A_461 = arith.constant 60 : i32
        %add3A_462 = vector.broadcast %add3A_461 : i32 to vector<16xi32>
        %add3A_463 = arith.addi %add3A_37, %add3A_462 : vector<16xi32>
        tpu.vector_store_idx %arg7[%add3A_463], %gather3A_460 : memref<51200xf32, #tpu.memory_space<vmem>>[vector<16xi32>], vector<16xf32>,
        %add3A_464 = arith.constant 61 : i32
        %add3A_465 = vector.broadcast %add3A_464 : i32 to vector<16xi32>
        %add3A_466 = arith.addi %mul3A_33, %add3A_465 : vector<16xi32>
        %gather3A_467 = tpu.vector_load_idx %arg6[%add3A_466] : memref<128xf32, #tpu.memory_space<vmem>>[vector<16xi32>], vector<16xf32>,
        %add3A_468 = arith.constant 61 : i32
        %add3A_469 = vector.broadcast %add3A_468 : i32 to vector<16xi32>
        %add3A_470 = arith.addi %add3A_37, %add3A_469 : vector<16xi32>
        tpu.vector_store_idx %arg7[%add3A_470], %gather3A_467 : memref<51200xf32, #tpu.memory_space<vmem>>[vector<16xi32>], vector<16xf32>,
        %add3A_471 = arith.constant 62 : i32
        %add3A_472 = vector.broadcast %add3A_471 : i32 to vector<16xi32>
        %add3A_473 = arith.addi %mul3A_33, %add3A_472 : vector<16xi32>
        %gather3A_474 = tpu.vector_load_idx %arg6[%add3A_473] : memref<128xf32, #tpu.memory_space<vmem>>[vector<16xi32>], vector<16xf32>,
        %add3A_475 = arith.constant 62 : i32
        %add3A_476 = vector.broadcast %add3A_475 : i32 to vector<16xi32>
        %add3A_477 = arith.addi %add3A_37, %add3A_476 : vector<16xi32>
        tpu.vector_store_idx %arg7[%add3A_477], %gather3A_474 : memref<51200xf32, #tpu.memory_space<vmem>>[vector<16xi32>], vector<16xf32>,
        %add3A_478 = arith.constant 63 : i32
        %add3A_479 = vector.broadcast %add3A_478 : i32 to vector<16xi32>
        %add3A_480 = arith.addi %mul3A_33, %add3A_479 : vector<16xi32>
        %gather3A_481 = tpu.vector_load_idx %arg6[%add3A_480] : memref<128xf32, #tpu.memory_space<vmem>>[vector<16xi32>], vector<16xf32>,
        %add3A_482 = arith.constant 63 : i32
        %add3A_483 = vector.broadcast %add3A_482 : i32 to vector<16xi32>
        %add3A_484 = arith.addi %add3A_37, %add3A_483 : vector<16xi32>
        tpu.vector_store_idx %arg7[%add3A_484], %gather3A_481 : memref<51200xf32, #tpu.memory_space<vmem>>[vector<16xi32>], vector<16xf32>,
      }
      %scan3A_16 = arith.constant 50 : i32
      %mul3A_17 = arith.constant 800 : i32
      %mul3A_18 = arith.muli %scan3A_11, %mul3A_17 : i32
      %add3A_19 = arith.addi %mul3A_2, %mul3A_18 : i32
      %mul3A_20 = arith.constant 64 : i32
      %mul3A_21 = arith.muli %add3A_19, %mul3A_20 : i32
      %dma_start3A = tpu.memref_slice %arg4[%mul3A_21] : memref<52428800xf32, #tpu.memory_space<hbm>> -> memref<51200xf32, #tpu.memory_space<hbm>>
      %dma_start3A_22 = tpu.memref_slice %arg4[%mul3A_21] : memref<52428800xf32, #tpu.memory_space<hbm>> -> memref<51200xf32, #tpu.memory_space<hbm>>
      tpu.enqueue_dma source(%arg7 : memref<51200xf32, #tpu.memory_space<vmem>>) target(%dma_start3A_22 : memref<51200xf32, #tpu.memory_space<hbm>>) target_semaphore(%arg8 : memref<!tpu.dma_semaphore, #tpu.memory_space<semaphore_mem>>)
      %dma_wait3A = tpu.memref_slice %arg4[%mul3A_21] : memref<52428800xf32, #tpu.memory_space<hbm>> -> memref<51200xf32, #tpu.memory_space<hbm>>
      %dma_wait3A_23 = tpu.memref_slice %arg4[%mul3A_21] : memref<52428800xf32, #tpu.memory_space<hbm>> -> memref<51200xf32, #tpu.memory_space<hbm>>
      tpu.wait_dma2 semaphore(%arg8 : memref<!tpu.dma_semaphore, #tpu.memory_space<semaphore_mem>>) src(%arg7 : memref<51200xf32, #tpu.memory_space<vmem>>) dst(%dma_wait3A_23 : memref<51200xf32, #tpu.memory_space<hbm>>)
    }
    %scan3A_10 = arith.constant 32 : i32
    return
  }
}

</mosaic_0001>

<sc_bundles>
// kernel: kernel.3.cloned.1.call-start
scs
__scs_entry_jumppad:
0x0: {  	(pc) =	sbr.rel $0x88, $3  }
0x1: {  	(tag) =	ssettag $0x0;
	lr =	simm.s32 $0x1  }
0x2: {  	[smem:$0x3F9F] =	sst lr;
	_ =	strace $0xD0000000  }
0x3: {  	_ = 	snop  }
0x4: {  	_ = 	snop  }
0x5: {  	_ = 	snop  }
0x6: {  	_ = 	snop  }
0x7: {  	_ = 	snop  }
__scs_overlays_trampoline_lowered:
0x8: {  	[smem:$0x3FAE] =	sst s0  }
0x9: {  	[smem:$0x3FAF] =	sst s1  }
0xa: {  	[smem:$0x3FB0] =	sst s2  }
0xb: {  	[smem:$0x3FB1] =	sst s3  }
0xc: {  	[smem:$0x3FB2] =	sst s4  }
0xd: {  	[smem:$0x3FB3] =	sst s5  }
0xe: {  	[smem:$0x3FB4] =	sst s6  }
0xf: {  	[smem:$0x3FB5] =	sst s7  }
0x10: {  	[smem:$0x3FB6] =	sst s8  }
0x11: {  	[smem:$0x3FB7] =	sst s9;
	s0 =	simm.s32 @!p0 $0x0  }
0x12: {  	s1 =	sld [smem:$0x3F9D];
	s0 =	simm.s32 @p0 $0x1  }
0x13: {  	[smem:$0x3FB8] =	sst s0;
	s0 =	simm.s32 @!p1 $0x0  }
0x14: {  	s2 =	sld [smem:$0x3F9C];
	s0 =	simm.s32 @p1 $0x1  }
0x15: {  	[smem:$0x3FB9] =	sst s0;
	s0 =	simm.s32 @!p2 $0x0  }
0x16: {  	s3 =	sld [smem:$0x3FDB];
	s0 =	simm.s32 @p2 $0x1  }
0x17: {  	s4 =	simm.s32 $0x1BF5;
	[smem:$0x3FBB] =	sst s0  }
0x18: {  	s0 =	sld [smem:$0x3F9E];
	_ =	swait.ge [sflag:s4], $0x0  }
0x19: {  	s7 =	sld [smem:$0x3F9F]  }
0x1a: {  	s8 =	sadd.s32 $0xFFFFE003, lr  }
0x1b: {  	s9 =	sadd.s32 $0xFFFFFEF7, lr;
	s5 =	simm.s32 $0xFFFFFFFF;
	p2 =	slt.u32 s8, $0xFFFFF086  }
0x1c: {  	p1 =	slt.u32 s9, $0xF7A;
	s5 =	simm.s32 @!p2 $0x0  }
0x1d: {  	s5 =	simm.s32 @p1 $0x1;
	p0 =	seq.s32 s7, s2  }
0x1e: {  	s7 =	smul.u32 @!p0 $0xF7A, s2;
	p2 =	seq.s32 @!p0 s5, $0x0  }
0x1f: {  	s9 =	smul.u32 $0xF7A, s1;
	s8 =	simm.s32 @!p0 $0x1BF5;
	p2 =	por !p2, p0  }
0x20: {  	[sflag:s8] =	ssyncset.s32 @!p0 $0xFFFFF086;
	s6 =	sadd.s32 @!p0 s3, s7;
	s7 =	simm.s32 @!p0 $0x108  }
0x21: {  	s3 =	sadd.s32 s3, s9;
	s6 =	sadd.s32 @!p0 $0x88, s6;
	s7 =	simm.s32 @p2 $0x1082  }
0x22: {  	[simem:s7], [sflag:s8] =	dma.local @!p0 [hbm:s6], $0xF7A  }
0x23: {  	s9 =	sor.u32 $0xD0000000, s2;
	s6 =	simm.s32 $0x108;
	_ =	swait.ge @!p0 [sflag:s8], $0x0  }
0x24: {  	s3 =	sadd.s32 $0x88, s3;
	s6 =	simm.s32 @!p1 $0x1082;
	[sflag:s4] =	ssyncset.s32 $0xFFFFF086  }
0x25: {  	[simem:s6], [sflag:s4] =	dma.local [hbm:s3], $0xF7A  }
0x26: {  	[smem:$0x3F9F] =	sst s1;
	(tag) =	ssettag s2;
	_ =	strace s9  }
0x27: {  	s1 =	sld [smem:$0x3FAF]  }
0x28: {  	s2 =	sld [smem:$0x3FB0]  }
0x29: {  	s4 =	sld [smem:$0x3FB2]  }
0x2a: {  	p0 =	seq.s32 s5, $0x0;
	s5 =	sld [smem:$0x3FB3]  }
0x2b: {  	s6 =	sld [smem:$0x3FB4]  }
0x2c: {  	s7 =	sld [smem:$0x3FB5]  }
0x2d: {  	s3 =	simm.s32 $0x108;
	s8 =	sld [smem:$0x3FB6]  }
0x2e: {  	s3 =	simm.s32 @!p0 $0x1082;
	s9 =	sld [smem:$0x3FB7]  }
0x2f: {  	lr =	sadd.s32 s0, s3;
	s0 =	sld [smem:$0x3FAE]  }
0x30: {  	s3 =	sld [smem:$0x3FB1]  }
0x31: {  	[smem:$0x3FBA] =	sst s10  }
0x32: {  	s10 =	sld [smem:$0x3FB8];
	_ =	sdelay $0x3  }
0x33: {  	p0 =	seq.s32 s10, $0x1;
	s10 =	sld [smem:$0x3FBA];
	_ =	sdelay $0x3  }
0x34: {  	[smem:$0x3FBA] =	sst s10  }
0x35: {  	s10 =	sld [smem:$0x3FB9];
	_ =	sdelay $0x3  }
0x36: {  	p1 =	seq.s32 s10, $0x1;
	s10 =	sld [smem:$0x3FBA];
	_ =	sdelay $0x3  }
0x37: {  	[smem:$0x3FBA] =	sst s10  }
0x38: {  	s10 =	sld [smem:$0x3FBB]  }
0x39: {  	_ = 	snop;
	(pc) =	sbr.ind lr, $3  }
0x3a: {  	_ = 	snop  }
0x3b: {  	_ = 	snop  }
0x3c: {  	p2 =	seq.s32 s10, $0x1;
	s10 =	sld [smem:$0x3FBA]  }
0x3d: {  	_ =	shalt  }
0x3e: {  	_ =	shalt  }
0x3f: {  	_ =	shalt  }
0x40: {  	_ =	shalt  }
0x41: {  	_ =	shalt  }
0x42: {  	_ =	shalt  }
0x43: {  	_ =	shalt  }
0x44: {  	_ =	shalt  }
0x45: {  	_ =	shalt  }
0x46: {  	_ =	shalt  }
0x47: {  	_ =	shalt  }
0x48: {  	_ =	shalt  }
0x49: {  	_ =	shalt  }
0x4a: {  	_ =	shalt  }
0x4b: {  	_ =	shalt  }
0x4c: {  	_ =	shalt  }
0x4d: {  	_ =	shalt  }
0x4e: {  	_ =	shalt  }
0x4f: {  	_ =	shalt  }
0x50: {  	_ =	shalt  }
0x51: {  	_ =	shalt  }
0x52: {  	_ =	shalt  }
0x53: {  	_ =	shalt  }
0x54: {  	_ =	shalt  }
0x55: {  	_ =	shalt  }
0x56: {  	_ =	shalt  }
0x57: {  	_ =	shalt  }
0x58: {  	_ =	shalt  }
0x59: {  	_ =	shalt  }
0x5a: {  	_ =	shalt  }
0x5b: {  	_ =	shalt  }
0x5c: {  	_ =	shalt  }
0x5d: {  	_ =	shalt  }
0x5e: {  	_ =	shalt  }
0x5f: {  	_ =	shalt  }
0x60: {  	_ =	shalt  }
0x61: {  	_ =	shalt  }
0x62: {  	_ =	shalt  }
0x63: {  	_ =	shalt  }
0x64: {  	_ =	shalt  }
0x65: {  	_ =	shalt  }
0x66: {  	_ =	shalt  }
0x67: {  	_ =	shalt  }
0x68: {  	_ =	shalt  }
0x69: {  	_ =	shalt  }
0x6a: {  	_ =	shalt  }
0x6b: {  	_ =	shalt  }
0x6c: {  	_ =	shalt  }
0x6d: {  	_ =	shalt  }
0x6e: {  	_ =	shalt  }
0x6f: {  	_ =	shalt  }
0x70: {  	_ =	shalt  }
0x71: {  	_ =	shalt  }
0x72: {  	_ =	shalt  }
0x73: {  	_ =	shalt  }
0x74: {  	_ =	shalt  }
0x75: {  	_ =	shalt  }
0x76: {  	_ =	shalt  }
0x77: {  	_ =	shalt  }
0x78: {  	_ =	shalt  }
0x79: {  	_ =	shalt  }
0x7a: {  	_ =	shalt  }
0x7b: {  	_ =	shalt  }
0x7c: {  	_ =	shalt  }
0x7d: {  	_ =	shalt  }
0x7e: {  	_ =	shalt  }
0x7f: {  	_ =	shalt  }
0x80: {  	_ =	shalt  }
0x81: {  	_ =	shalt  }
0x82: {  	_ =	shalt  }
0x83: {  	_ =	shalt  }
0x84: {  	_ =	shalt  }
0x85: {  	_ =	shalt  }
0x86: {  	_ =	shalt  }
0x87: {  	_ =	shalt  }
.Lfunc_end0:
.L_simem_size_0:
called_computation.1_lowered:
.L_overlay_start_0:
0x88: {  	s2 =	sld [smem:$0x3FD9]  }
0x89: {  	s3 =	sld [smem:$0x3FFE];
	_ =	sdelay $0x1  }
0x8a: {  	s1 =	srdreg.scid  }
0x8b: {  	s0 =	sand.u32 $0x1, s1  }
0x8c: {  	s17 =	sshll.u32 s0, $0xA;
	s2 =	sadd.s32 s3, s2  }
0x8d: {  	s2 =	sadd.s32 s2, s17  }
0x8e: {  	[smem:$0x3FC6] =	sst s2  }
0x8f: {  	_ = 	snop  }
0x90: {  	s2 =	sld [smem:$0x3FD0];
	(tm) =	ssettm $0x1  }
0x91: {  	s18 =	sld [smem:$0x3FFB];
	_ =	sdelay $0x3  }
0x92: {  	_ =	strace s18  }
0x93: {  	s3 =	sld [smem:$0x3FFC];
	_ =	sdelay $0x3  }
0x94: {  	_ =	strace s3  }
0x95: {  	s3 =	sld [smem:$0x3FFD];
	_ =	sdelay $0x3  }
0x96: {  	_ =	strace s3  }
0x97: {  	_ =	strace $0x8FFFFFFF  }
0x98: {  	s19 =	sld [smem:$0x3FDB];
	_ =	sdelay $0x1  }
0x99: {  	s4 =	simm.s32 $_scs_section_size  }
0x9a: {  	s5 =	simm.s32 $_size__tile_overlayer_lowered;
	s6 =	simm.s32 $_tile_overlayer_lowered  }
0x9b: {  	s22 =	simm.s32 $0x1BFF;
	s21 =	sshll.u32 s6, $0x1;
	s3 =	sadd.s32 s4, s19  }
0x9c: {  	s7 =	simm.s32 $0x0;
	s20 =	sshll.u32 s5, $0x1;
	s5 =	sadd.s32 s21, s3  }
0x9d: {  	[timem:s7], [sflag:s22] =	dma.local [hbm:s5], s20  }
0x9e: {  	_ =	swait.ge [sflag:s22], s20  }
0x9f: {  	s4 =	ssub.s32 $0x0, s20;
	[sflag:s22] =	ssyncset.done $0x0  }
0xa0: {  	[sflag:s22] =	ssyncadd.s32 s4;
	_ =	sdelay $0x1  }
0xa1: {  	s23 =	simm.s32 $0x1B8B  }
0xa2: {  	_ =	swait.ge [sflag:s23], $0x1  }
0xa3: {  	[sflag:s23] =	ssyncset.done $0x0  }
0xa4: {  	s25 =	simm.s32 $0x1B8E;
	s24 =	sld [smem:$0x3FFE];
	[sflag:s23] =	ssyncadd.s32 $0xFFFFFFFF  }
0xa5: {  	s26 =	simm.s32 $execute0_lowered;
	[smem:$0x3FD2] =	sst s25  }
0xa6: {  	s5 =	sshll.u32 s26, $0x1;
	_ =	strace $0x80000046;
	[dreg:$0x1] =	wrdreg $0xFFFFFFFF  }
0xa7: {  	s28 =	simm.s32 $_size_execute0_lowered;
	s3 =	sadd.s32 s3, s5;
	[dreg:$0x0] =	wrdreg $0x0  }
0xa8: {  	s5 =	sshll.u32 s28, $0x1;
	[dreg:$0x2] =	wrdreg s3  }
0xa9: {  	[dreg:$0x3] =	wrdreg s5  }
0xaa: {  	[dreg:$0x4] =	wrdreg $0xC0  }
0xab: {  	_ =	task [dreg:s7], $0x5FFFF  }
0xac: {  	[dreg:$0x1] =	wrdreg $0xFFFFFFFF  }
0xad: {  	[dreg:$0x0] =	wrdreg $0x60  }
0xae: {  	[dreg:$0x2] =	wrdreg s24  }
0xaf: {  	[dreg:$0x3] =	wrdreg s2  }
0xb0: {  	[dreg:$0x4] =	wrdreg $0x9  }
0xb1: {  	_ =	task.clear_ibuf [dreg:s7], $0x5FFFF;
	_ =	strace $0x90000046  }
0xb2: {  	s29 =	simm.s32 $0x9;
	_ =	strace $0x80000048  }
0xb3: {  	_ =	swait.ge [sflag:s29], $0x1  }
0xb4: {  	[sflag:s29] =	ssyncadd.s32 $0xFFFFFFFF  }
0xb5: {  	_ =	strace $0x90000048  }
0xb6: {  	_ =	sfence  }
0xb7: {  	s30 =	sld [smem:$0x0];
	_ =	sdelay $0x2  }
0xb8: {  	s31 =	sshll.u32 s1, $0xD;
	s1 =	sshrl.u32 s1, $0x2  }
0xb9: {  	s3 =	sand.u32 $0x4000, s31;
	s1 =	sadd.s32 s1, s30  }
0xba: {  	s0 =	sor.u32 s3, s0;
	s1 =	sshll.u32 s1, $0x11  }
0xbb: {  	s0 =	sor.u32 s1, s0  }
0xbc: {  	s0 =	sadd.s32 $0x8F2B, s0  }
0xbd: {  	[sflag:s0] =	ssyncadd.remote.s32 $0x1  }
0xbe: {  	_ =	sfence.sel $0xFFFF  }
0xbf: {  	[dreg:$0x0] =	wrdreg $0xFFFFFFFF;
	(pc) =	sbr.abs _section_cstart, $3  }
0xc0: {  	[dreg:$0x1] =	wrdreg $0xFFFFFFFF  }
0xc1: {  	_ =	task.clear_ibuf [dreg:s7], $0x2FFFF;
	_ =	strace $0x9FFFFFFF  }
0xc2: {  	(tm) =	ssettm $0x7FFFFFFF  }
0xc3: {  	_ =	shalt  }
tec
execute0_lowered:
.L_overlay_start_1:
0x0: {  	(tag) =	ssettag $0x1  }
0x1: {  	v0 =	vlaneseq.u32  }
0x2: {  	v1 =	vand.u32 $0x1, v0  }
0x3: {  	v0 =	vmul.u32 $0x40, v0;
	v1 =	vmul.u32 $0x40, v1;
	_ =	sdelay $0x1  }
0x4: {  	v4 =	vor.u32 $0xFFFFFF80, v1;
	v1 =	vor.u32 $0x1, v0  }
0x5: {  	[tilespmem:$0x1FC30] =	vst v1;
	v1 =	vor.u32 $0x2, v0  }
0x6: {  	[tilespmem:$0x1FC40] =	vst v1;
	v1 =	vor.u32 $0x3, v0  }
0x7: {  	[tilespmem:$0x1FC50] =	vst v1;
	v1 =	vor.u32 $0x4, v0  }
0x8: {  	[tilespmem:$0x1FC60] =	vst v1;
	v1 =	vor.u32 $0x5, v0  }
0x9: {  	[tilespmem:$0x1FC70] =	vst v1;
	v1 =	vor.u32 $0x6, v0  }
0xa: {  	[tilespmem:$0x1FC80] =	vst v1;
	v1 =	vor.u32 $0x7, v0  }
0xb: {  	[tilespmem:$0x1FC90] =	vst v1;
	v1 =	vor.u32 $0x8, v0  }
0xc: {  	[tilespmem:$0x1FCA0] =	vst v1;
	v1 =	vor.u32 $0x9, v0  }
0xd: {  	[tilespmem:$0x1FCB0] =	vst v1;
	v1 =	vor.u32 $0xA, v0  }
0xe: {  	[tilespmem:$0x1FCC0] =	vst v1;
	v1 =	vor.u32 $0xB, v0  }
0xf: {  	[tilespmem:$0x1FCD0] =	vst v1;
	v1 =	vor.u32 $0xC, v0  }
0x10: {  	[tilespmem:$0x1FCE0] =	vst v1;
	v1 =	vor.u32 $0xD, v0  }
0x11: {  	[tilespmem:$0x1FCF0] =	vst v1;
	v1 =	vor.u32 $0xE, v0  }
0x12: {  	[tilespmem:$0x1FD00] =	vst v1;
	v1 =	vor.u32 $0xF, v0  }
0x13: {  	[tilespmem:$0x1FD10] =	vst v1;
	v1 =	vor.u32 $0x10, v0  }
0x14: {  	[tilespmem:$0x1FD20] =	vst v1;
	v1 =	vor.u32 $0x11, v0  }
0x15: {  	[tilespmem:$0x1FD30] =	vst v1;
	v1 =	vor.u32 $0x12, v0  }
0x16: {  	[tilespmem:$0x1FD40] =	vst v1;
	v1 =	vor.u32 $0x13, v0  }
0x17: {  	[tilespmem:$0x1FD50] =	vst v1;
	v1 =	vor.u32 $0x14, v0  }
0x18: {  	[tilespmem:$0x1FD60] =	vst v1;
	v1 =	vor.u32 $0x15, v0  }
0x19: {  	[tilespmem:$0x1FD70] =	vst v1;
	v1 =	vor.u32 $0x16, v0  }
0x1a: {  	[tilespmem:$0x1FD80] =	vst v1;
	v1 =	vor.u32 $0x17, v0  }
0x1b: {  	[tilespmem:$0x1FD90] =	vst v1;
	v1 =	vor.u32 $0x18, v0  }
0x1c: {  	[tilespmem:$0x1FDA0] =	vst v1;
	v1 =	vor.u32 $0x19, v0  }
0x1d: {  	[tilespmem:$0x1FDB0] =	vst v1;
	v1 =	vor.u32 $0x1A, v0  }
0x1e: {  	[tilespmem:$0x1FDC0] =	vst v1;
	v1 =	vor.u32 $0x1B, v0  }
0x1f: {  	[tilespmem:$0x1FDD0] =	vst v1;
	v1 =	vor.u32 $0x1C, v0  }
0x20: {  	[tilespmem:$0x1FDE0] =	vst v1;
	v1 =	vor.u32 $0x1D, v0  }
0x21: {  	[tilespmem:$0x1FDF0] =	vst v1;
	v1 =	vor.u32 $0x1E, v0  }
0x22: {  	[tilespmem:$0x1FE00] =	vst v1;
	v1 =	vor.u32 $0x1F, v0  }
0x23: {  	[tilespmem:$0x1FE10] =	vst v1;
	v1 =	vor.u32 $0x20, v0  }
0x24: {  	[tilespmem:$0x1FE20] =	vst v1;
	v1 =	vor.u32 $0x21, v0  }
0x25: {  	[tilespmem:$0x1FE30] =	vst v1;
	v1 =	vor.u32 $0x22, v0  }
0x26: {  	[tilespmem:$0x1FE40] =	vst v1;
	v1 =	vor.u32 $0x23, v0  }
0x27: {  	[tilespmem:$0x1FE50] =	vst v1;
	v1 =	vor.u32 $0x24, v0  }
0x28: {  	[tilespmem:$0x1FE60] =	vst v1;
	v1 =	vor.u32 $0x25, v0  }
0x29: {  	[tilespmem:$0x1FE70] =	vst v1;
	v1 =	vor.u32 $0x26, v0  }
0x2a: {  	[tilespmem:$0x1FE80] =	vst v1;
	v1 =	vor.u32 $0x27, v0  }
0x2b: {  	[tilespmem:$0x1FE90] =	vst v1;
	v1 =	vor.u32 $0x28, v0  }
0x2c: {  	[tilespmem:$0x1FEA0] =	vst v1;
	v1 =	vor.u32 $0x29, v0  }
0x2d: {  	[tilespmem:$0x1FEB0] =	vst v1;
	v1 =	vor.u32 $0x2A, v0  }
0x2e: {  	[tilespmem:$0x1FEC0] =	vst v1;
	v1 =	vor.u32 $0x2B, v0  }
0x2f: {  	[tilespmem:$0x1FED0] =	vst v1;
	v1 =	vor.u32 $0x2C, v0  }
0x30: {  	s5 =	rddreg [dreg:$0x0];
	[tilespmem:$0x1FEE0] =	vst v1;
	v1 =	vor.u32 $0x2D, v0  }
0x31: {  	s2 =	rddreg [dreg:$0x1];
	s3 =	simm.s32 $0x0;
	[tilespmem:$0x1FEF0] =	vst v1;
	v1 =	vor.u32 $0x2E, v0  }
0x32: {  	s1 =	srdreg.scid;
	[smem:$0x7FF] =	sst s3;
	[tilespmem:$0x1FF00] =	vst v1;
	v1 =	vor.u32 $0x2F, v0  }
0x33: {  	s4 =	sand.u32 $0x1, s1;
	s1 =	rddreg [dreg:$0x2];
	_ =	strace $0x80000047;
	[tilespmem:$0x1FF10] =	vst v1;
	v1 =	vor.u32 $0x30, v0  }
0x34: {  	[tilespmem:$0x1FF20] =	vst v1;
	v1 =	vor.u32 $0x31, v0  }
0x35: {  	[tilespmem:$0x1FF30] =	vst v1;
	v1 =	vor.u32 $0x32, v0  }
0x36: {  	[tilespmem:$0x1FF40] =	vst v1;
	v1 =	vor.u32 $0x33, v0  }
0x37: {  	[tilespmem:$0x1FF50] =	vst v1;
	v1 =	vor.u32 $0x34, v0  }
0x38: {  	[tilespmem:$0x1FF60] =	vst v1;
	v1 =	vor.u32 $0x35, v0  }
0x39: {  	s0 =	stileid.u32;
	[tilespmem:$0x1FF70] =	vst v1;
	v1 =	vor.u32 $0x36, v0  }
0x3a: {  	s10 =	simm.s32 $0x2;
	s28 =	sshll.u32 s0, $0x1;
	[tilespmem:$0x1FF80] =	vst v1;
	v1 =	vor.u32 $0x37, v0  }
0x3b: {  	s11 =	simm.s32 $0x6400;
	s29 =	sshrl.u32 s0, $0x2;
	s6 =	sor.u32 s4, s28;
	[tilespmem:$0x1FF90] =	vst v1;
	v1 =	vor.u32 $0x38, v0  }
0x3c: {  	s12 =	simm.s32 $0x6480;
	s7 =	smul.u32 $0x32000, s29;
	s30 =	sshll.u32 s6, $0x7;
	[tilespmem:$0x1FFA0] =	vst v1;
	v1 =	vor.u32 $0x39, v0  }
0x3d: {  	s13 =	simm.s32 $0x1;
	s14 =	simm.s32 $0x0;
	s8 =	sand.u32 $0x380, s30;
	[tilespmem:$0x1FFB0] =	vst v1;
	v1 =	vor.u32 $0x3A, v0  }
0x3e: {  	s31 =	ssub.s32 $0x2, s4;
	s4 =	sadd.s32 $0x800, s5;
	s7 =	sor.u32 s7, s8;
	[tilespmem:$0x1FFC0] =	vst v1;
	v1 =	vor.u32 $0x3B, v0  }
0x3f: {  	s9 =	sshrl.u32 s31, $0x1;
	s6 =	smul.u32 $0x6400, s6;
	s7 =	sshrl.u32 s7, $0x3;
	[tilespmem:$0x1FFD0] =	vst v1;
	v1 =	vor.u32 $0x3C, v0  }
0x40: {  	s8 =	ssub.s32 s31, s9;
	s9 =	simm.s32 $0x400;
	s7 =	sadd.s32 s7, s5;
	[tilespmem:$0x1FFE0] =	vst v1;
	v1 =	vor.u32 $0x3D, v0  }
0x41: {  	s5 =	sadd.s32 $0xA00, s7;
	s7 =	smax.u32 s8, $0x1;
	s8 =	simm.s32 $0x80;
	[tilespmem:$0x1FFF0] =	vst v1  }
.LBB2_1:
0x42: {  	[tilespmem:s3], [sflag:$0x2] =	stream.strided.gather [hbm4b:s5+s8], $0x6400, s9, s8, $0x38;
	[tilespmem:$0x12C80] =	vst v63  }
0x43: {  	_ =	swait.ge [sflag:s10], $0x6400  }
0x44: {  	[sflag:s10] =	ssyncset.done $0x0  }
0x45: {  	[sflag:s10] =	ssyncadd.s32 $0xFFFF9C00  }
0x46: {  	[tilespmem:s11], [sflag:$0x2] =	stream.linear.gather [hbm4b:s4+s3], $0x80, $0x38;
	[tilespmem:$0x12C80] =	vst v63  }
0x47: {  	_ =	swait.ge [sflag:s10], $0x80  }
0x48: {  	[sflag:s10] =	ssyncset.done $0x0  }
0x49: {  	s15 =	simm.s32 $0x0;
	s16 =	simm.s32 $0x0;
	[sflag:s10] =	ssyncadd.s32 $0xFFFFFF80  }
.LBB2_2:
0x4a: {  	v8 =	vld [tilespmem:$0x1FC60]  }
0x4b: {  	v9 =	vld [tilespmem:$0x1FC70]  }
0x4c: {  	v10 =	vld [tilespmem:$0x1FC80]  }
0x4d: {  	v11 =	vld [tilespmem:$0x1FC90]  }
0x4e: {  	v12 =	vld [tilespmem:$0x1FCA0]  }
0x4f: {  	v13 =	vld [tilespmem:$0x1FCB0]  }
0x50: {  	v14 =	vld [tilespmem:$0x1FCC0]  }
0x51: {  	v15 =	vld [tilespmem:$0x1FCD0]  }
0x52: {  	v16 =	vld [tilespmem:$0x1FCE0]  }
0x53: {  	v17 =	vld [tilespmem:$0x1FCF0]  }
0x54: {  	v18 =	vld [tilespmem:$0x1FD00]  }
0x55: {  	v19 =	vld [tilespmem:$0x1FD10]  }
0x56: {  	v20 =	vld [tilespmem:$0x1FD20]  }
0x57: {  	v21 =	vld [tilespmem:$0x1FD30]  }
0x58: {  	v22 =	vld [tilespmem:$0x1FD40]  }
0x59: {  	v23 =	vld [tilespmem:$0x1FD50]  }
0x5a: {  	v24 =	vld [tilespmem:$0x1FD60]  }
0x5b: {  	v25 =	vld [tilespmem:$0x1FD70]  }
0x5c: {  	v26 =	vld [tilespmem:$0x1FD80]  }
0x5d: {  	v27 =	vld [tilespmem:$0x1FD90]  }
0x5e: {  	v28 =	vld [tilespmem:$0x1FDA0]  }
0x5f: {  	v29 =	vld [tilespmem:$0x1FDB0]  }
0x60: {  	v30 =	vld [tilespmem:$0x1FDC0]  }
0x61: {  	v31 =	vld [tilespmem:$0x1FDD0]  }
0x62: {  	v32 =	vld [tilespmem:$0x1FDE0]  }
0x63: {  	v33 =	vld [tilespmem:$0x1FDF0]  }
0x64: {  	v34 =	vld [tilespmem:$0x1FE00]  }
0x65: {  	v35 =	vld [tilespmem:$0x1FE10]  }
0x66: {  	v36 =	vld [tilespmem:$0x1FE20]  }
0x67: {  	v37 =	vld [tilespmem:$0x1FE30]  }
0x68: {  	v38 =	vld [tilespmem:$0x1FE40]  }
0x69: {  	v39 =	vld [tilespmem:$0x1FE50]  }
0x6a: {  	v40 =	vld [tilespmem:$0x1FE60]  }
0x6b: {  	v41 =	vld [tilespmem:$0x1FE70]  }
0x6c: {  	v42 =	vld [tilespmem:$0x1FE80]  }
0x6d: {  	v43 =	vld [tilespmem:$0x1FE90]  }
0x6e: {  	v44 =	vld [tilespmem:$0x1FEA0]  }
0x6f: {  	v45 =	vld [tilespmem:$0x1FEB0]  }
0x70: {  	v46 =	vld [tilespmem:$0x1FEC0]  }
0x71: {  	v47 =	vld [tilespmem:$0x1FED0]  }
0x72: {  	v48 =	vld [tilespmem:$0x1FEE0]  }
0x73: {  	v49 =	vld [tilespmem:$0x1FEF0]  }
0x74: {  	v50 =	vld [tilespmem:$0x1FF00]  }
0x75: {  	v51 =	vld [tilespmem:$0x1FF10]  }
0x76: {  	v52 =	vld [tilespmem:$0x1FF20]  }
0x77: {  	v53 =	vld [tilespmem:$0x1FF30]  }
0x78: {  	v54 =	vld [tilespmem:$0x1FF40]  }
0x79: {  	v55 =	vld [tilespmem:$0x1FF50]  }
0x7a: {  	v56 =	vld [tilespmem:$0x1FF60]  }
0x7b: {  	v57 =	vld [tilespmem:$0x1FF70]  }
0x7c: {  	v58 =	vld [tilespmem:$0x1FF80]  }
0x7d: {  	v59 =	vld [tilespmem:$0x1FF90]  }
0x7e: {  	v60 =	vld [tilespmem:$0x1FFA0]  }
0x7f: {  	v61 =	vld [tilespmem:$0x1FFB0]  }
0x80: {  	v62 =	vld [tilespmem:$0x1FFC0]  }
0x81: {  	v5 =	vld [tilespmem:$0x1FFD0]  }
0x82: {  	v6 =	vld [tilespmem:$0x1FFE0]  }
0x83: {  	s17 =	simm.s32 $0x0;
	s18 =	smov.u32 s15;
	v7 =	vld [tilespmem:$0x1FFF0]  }
.LBB2_3:
0x84: {  	v63 =	vld [tilespmem:s18+$0x0];
	_ =	sdelay $0x4  }
0x85: {  	v63 =	vshll.u32 v63, $0x6;
	_ =	sdelay $0x3  }
0x86: {  	v1 =	vor.u32 s17, v0  }
0x87: {  	v1 =	vand.u32 v4, v1;
	v2 =	vld.idx.msk [tilespmem:v63+s11+$0x0], $0xffff;
	_ =	sdelay $0x4  }
0x88: {  	v3 =	vor.u32 $0x1, v63;
	[tilespmem:v1+s12+$0x0] =	vst.idx.msk $0xffff, v2;
	v2 =	vld [tilespmem:$0x1FC30];
	_ =	sdelay $0x4  }
0x89: {  	v1 =	vld.idx.msk [tilespmem:v3+s11+$0x0], $0xffff;
	v2 =	vor.u32 s17, v2;
	_ =	sdelay $0x4  }
0x8a: {  	v3 =	vor.u32 $0x2, v63;
	[tilespmem:v2+s12+$0x0] =	vst.idx.msk $0xffff, v1;
	v2 =	vld [tilespmem:$0x1FC40];
	_ =	sdelay $0x4  }
0x8b: {  	v1 =	vld.idx.msk [tilespmem:v3+s11+$0x0], $0xffff;
	v2 =	vor.u32 s17, v2;
	_ =	sdelay $0x4  }
0x8c: {  	v3 =	vor.u32 $0x3, v63;
	[tilespmem:v2+s12+$0x0] =	vst.idx.msk $0xffff, v1;
	v2 =	vld [tilespmem:$0x1FC50];
	_ =	sdelay $0x4  }
0x8d: {  	v1 =	vld.idx.msk [tilespmem:v3+s11+$0x0], $0xffff;
	v2 =	vor.u32 s17, v2  }
0x8e: {  	v3 =	vor.u32 $0x4, v63;
	_ =	sdelay $0x3  }
0x8f: {  	[tilespmem:v2+s12+$0x0] =	vst.idx.msk $0xffff, v1  }
0x90: {  	v2 =	vor.u32 s17, v8;
	v1 =	vld.idx.msk [tilespmem:v3+s11+$0x0], $0xffff  }
0x91: {  	v3 =	vor.u32 $0x5, v63;
	_ =	sdelay $0x3  }
0x92: {  	[tilespmem:v2+s12+$0x0] =	vst.idx.msk $0xffff, v1  }
0x93: {  	v2 =	vor.u32 s17, v9;
	v1 =	vld.idx.msk [tilespmem:v3+s11+$0x0], $0xffff  }
0x94: {  	v3 =	vor.u32 $0x6, v63;
	_ =	sdelay $0x3  }
0x95: {  	[tilespmem:v2+s12+$0x0] =	vst.idx.msk $0xffff, v1  }
0x96: {  	v2 =	vor.u32 s17, v10;
	v1 =	vld.idx.msk [tilespmem:v3+s11+$0x0], $0xffff  }
0x97: {  	v3 =	vor.u32 $0x7, v63;
	_ =	sdelay $0x3  }
0x98: {  	[tilespmem:v2+s12+$0x0] =	vst.idx.msk $0xffff, v1  }
0x99: {  	v2 =	vor.u32 s17, v11;
	v1 =	vld.idx.msk [tilespmem:v3+s11+$0x0], $0xffff  }
0x9a: {  	v3 =	vor.u32 $0x8, v63;
	_ =	sdelay $0x3  }
0x9b: {  	[tilespmem:v2+s12+$0x0] =	vst.idx.msk $0xffff, v1  }
0x9c: {  	v2 =	vor.u32 s17, v12;
	v1 =	vld.idx.msk [tilespmem:v3+s11+$0x0], $0xffff  }
0x9d: {  	v3 =	vor.u32 $0x9, v63;
	_ =	sdelay $0x3  }
0x9e: {  	[tilespmem:v2+s12+$0x0] =	vst.idx.msk $0xffff, v1  }
0x9f: {  	v2 =	vor.u32 s17, v13;
	v1 =	vld.idx.msk [tilespmem:v3+s11+$0x0], $0xffff  }
0xa0: {  	v3 =	vor.u32 $0xA, v63;
	_ =	sdelay $0x3  }
0xa1: {  	[tilespmem:v2+s12+$0x0] =	vst.idx.msk $0xffff, v1  }
0xa2: {  	v2 =	vor.u32 s17, v14;
	v1 =	vld.idx.msk [tilespmem:v3+s11+$0x0], $0xffff  }
0xa3: {  	v3 =	vor.u32 $0xB, v63;
	_ =	sdelay $0x3  }
0xa4: {  	[tilespmem:v2+s12+$0x0] =	vst.idx.msk $0xffff, v1  }
0xa5: {  	v2 =	vor.u32 s17, v15;
	v1 =	vld.idx.msk [tilespmem:v3+s11+$0x0], $0xffff  }
0xa6: {  	v3 =	vor.u32 $0xC, v63;
	_ =	sdelay $0x3  }
0xa7: {  	[tilespmem:v2+s12+$0x0] =	vst.idx.msk $0xffff, v1  }
0xa8: {  	v2 =	vor.u32 s17, v16;
	v1 =	vld.idx.msk [tilespmem:v3+s11+$0x0], $0xffff  }
0xa9: {  	v3 =	vor.u32 $0xD, v63;
	_ =	sdelay $0x3  }
0xaa: {  	[tilespmem:v2+s12+$0x0] =	vst.idx.msk $0xffff, v1  }
0xab: {  	v2 =	vor.u32 s17, v17;
	v1 =	vld.idx.msk [tilespmem:v3+s11+$0x0], $0xffff  }
0xac: {  	v3 =	vor.u32 $0xE, v63;
	_ =	sdelay $0x3  }
0xad: {  	[tilespmem:v2+s12+$0x0] =	vst.idx.msk $0xffff, v1  }
0xae: {  	v2 =	vor.u32 s17, v18;
	v1 =	vld.idx.msk [tilespmem:v3+s11+$0x0], $0xffff  }
0xaf: {  	v3 =	vor.u32 $0xF, v63;
	_ =	sdelay $0x3  }
0xb0: {  	[tilespmem:v2+s12+$0x0] =	vst.idx.msk $0xffff, v1  }
0xb1: {  	v2 =	vor.u32 s17, v19;
	v1 =	vld.idx.msk [tilespmem:v3+s11+$0x0], $0xffff  }
0xb2: {  	v3 =	vor.u32 $0x10, v63;
	_ =	sdelay $0x3  }
0xb3: {  	[tilespmem:v2+s12+$0x0] =	vst.idx.msk $0xffff, v1  }
0xb4: {  	v2 =	vor.u32 s17, v20;
	v1 =	vld.idx.msk [tilespmem:v3+s11+$0x0], $0xffff  }
0xb5: {  	v3 =	vor.u32 $0x11, v63;
	_ =	sdelay $0x3  }
0xb6: {  	[tilespmem:v2+s12+$0x0] =	vst.idx.msk $0xffff, v1  }
0xb7: {  	v2 =	vor.u32 s17, v21;
	v1 =	vld.idx.msk [tilespmem:v3+s11+$0x0], $0xffff  }
0xb8: {  	v3 =	vor.u32 $0x12, v63;
	_ =	sdelay $0x3  }
0xb9: {  	[tilespmem:v2+s12+$0x0] =	vst.idx.msk $0xffff, v1  }
0xba: {  	v2 =	vor.u32 s17, v22;
	v1 =	vld.idx.msk [tilespmem:v3+s11+$0x0], $0xffff  }
0xbb: {  	v3 =	vor.u32 $0x13, v63;
	_ =	sdelay $0x3  }
0xbc: {  	[tilespmem:v2+s12+$0x0] =	vst.idx.msk $0xffff, v1  }
0xbd: {  	v2 =	vor.u32 s17, v23;
	v1 =	vld.idx.msk [tilespmem:v3+s11+$0x0], $0xffff  }
0xbe: {  	v3 =	vor.u32 $0x14, v63;
	_ =	sdelay $0x3  }
0xbf: {  	[tilespmem:v2+s12+$0x0] =	vst.idx.msk $0xffff, v1  }
0xc0: {  	v2 =	vor.u32 s17, v24;
	v1 =	vld.idx.msk [tilespmem:v3+s11+$0x0], $0xffff  }
0xc1: {  	v3 =	vor.u32 $0x15, v63;
	_ =	sdelay $0x3  }
0xc2: {  	[tilespmem:v2+s12+$0x0] =	vst.idx.msk $0xffff, v1  }
0xc3: {  	v2 =	vor.u32 s17, v25;
	v1 =	vld.idx.msk [tilespmem:v3+s11+$0x0], $0xffff  }
0xc4: {  	v3 =	vor.u32 $0x16, v63;
	_ =	sdelay $0x3  }
0xc5: {  	[tilespmem:v2+s12+$0x0] =	vst.idx.msk $0xffff, v1  }
0xc6: {  	v2 =	vor.u32 s17, v26;
	v1 =	vld.idx.msk [tilespmem:v3+s11+$0x0], $0xffff  }
0xc7: {  	v3 =	vor.u32 $0x17, v63;
	_ =	sdelay $0x3  }
0xc8: {  	[tilespmem:v2+s12+$0x0] =	vst.idx.msk $0xffff, v1  }
0xc9: {  	v2 =	vor.u32 s17, v27;
	v1 =	vld.idx.msk [tilespmem:v3+s11+$0x0], $0xffff  }
0xca: {  	v3 =	vor.u32 $0x18, v63;
	_ =	sdelay $0x3  }
0xcb: {  	[tilespmem:v2+s12+$0x0] =	vst.idx.msk $0xffff, v1  }
0xcc: {  	v2 =	vor.u32 s17, v28;
	v1 =	vld.idx.msk [tilespmem:v3+s11+$0x0], $0xffff  }
0xcd: {  	v3 =	vor.u32 $0x19, v63;
	_ =	sdelay $0x3  }
0xce: {  	[tilespmem:v2+s12+$0x0] =	vst.idx.msk $0xffff, v1  }
0xcf: {  	v2 =	vor.u32 s17, v29;
	v1 =	vld.idx.msk [tilespmem:v3+s11+$0x0], $0xffff  }
0xd0: {  	v3 =	vor.u32 $0x1A, v63;
	_ =	sdelay $0x3  }
0xd1: {  	[tilespmem:v2+s12+$0x0] =	vst.idx.msk $0xffff, v1  }
0xd2: {  	v2 =	vor.u32 s17, v30;
	v1 =	vld.idx.msk [tilespmem:v3+s11+$0x0], $0xffff  }
0xd3: {  	v3 =	vor.u32 $0x1B, v63;
	_ =	sdelay $0x3  }
0xd4: {  	[tilespmem:v2+s12+$0x0] =	vst.idx.msk $0xffff, v1  }
0xd5: {  	v2 =	vor.u32 s17, v31;
	v1 =	vld.idx.msk [tilespmem:v3+s11+$0x0], $0xffff  }
0xd6: {  	v3 =	vor.u32 $0x1C, v63;
	_ =	sdelay $0x3  }
0xd7: {  	[tilespmem:v2+s12+$0x0] =	vst.idx.msk $0xffff, v1  }
0xd8: {  	v2 =	vor.u32 s17, v32;
	v1 =	vld.idx.msk [tilespmem:v3+s11+$0x0], $0xffff  }
0xd9: {  	v3 =	vor.u32 $0x1D, v63;
	_ =	sdelay $0x3  }
0xda: {  	[tilespmem:v2+s12+$0x0] =	vst.idx.msk $0xffff, v1  }
0xdb: {  	v2 =	vor.u32 s17, v33;
	v1 =	vld.idx.msk [tilespmem:v3+s11+$0x0], $0xffff  }
0xdc: {  	v3 =	vor.u32 $0x1E, v63;
	_ =	sdelay $0x3  }
0xdd: {  	[tilespmem:v2+s12+$0x0] =	vst.idx.msk $0xffff, v1  }
0xde: {  	v2 =	vor.u32 s17, v34;
	v1 =	vld.idx.msk [tilespmem:v3+s11+$0x0], $0xffff  }
0xdf: {  	v3 =	vor.u32 $0x1F, v63;
	_ =	sdelay $0x3  }
0xe0: {  	[tilespmem:v2+s12+$0x0] =	vst.idx.msk $0xffff, v1  }
0xe1: {  	v2 =	vor.u32 s17, v35;
	v1 =	vld.idx.msk [tilespmem:v3+s11+$0x0], $0xffff  }
0xe2: {  	v3 =	vor.u32 $0x20, v63;
	_ =	sdelay $0x3  }
0xe3: {  	[tilespmem:v2+s12+$0x0] =	vst.idx.msk $0xffff, v1  }
0xe4: {  	v2 =	vor.u32 s17, v36;
	v1 =	vld.idx.msk [tilespmem:v3+s11+$0x0], $0xffff  }
0xe5: {  	v3 =	vor.u32 $0x21, v63;
	_ =	sdelay $0x3  }
0xe6: {  	[tilespmem:v2+s12+$0x0] =	vst.idx.msk $0xffff, v1  }
0xe7: {  	v2 =	vor.u32 s17, v37;
	v1 =	vld.idx.msk [tilespmem:v3+s11+$0x0], $0xffff  }
0xe8: {  	v3 =	vor.u32 $0x22, v63;
	_ =	sdelay $0x3  }
0xe9: {  	[tilespmem:v2+s12+$0x0] =	vst.idx.msk $0xffff, v1  }
0xea: {  	v2 =	vor.u32 s17, v38;
	v1 =	vld.idx.msk [tilespmem:v3+s11+$0x0], $0xffff  }
0xeb: {  	v3 =	vor.u32 $0x23, v63;
	_ =	sdelay $0x3  }
0xec: {  	[tilespmem:v2+s12+$0x0] =	vst.idx.msk $0xffff, v1  }
0xed: {  	v2 =	vor.u32 s17, v39;
	v1 =	vld.idx.msk [tilespmem:v3+s11+$0x0], $0xffff  }
0xee: {  	v3 =	vor.u32 $0x24, v63;
	_ =	sdelay $0x3  }
0xef: {  	[tilespmem:v2+s12+$0x0] =	vst.idx.msk $0xffff, v1  }
0xf0: {  	v2 =	vor.u32 s17, v40;
	v1 =	vld.idx.msk [tilespmem:v3+s11+$0x0], $0xffff  }
0xf1: {  	v3 =	vor.u32 $0x25, v63;
	_ =	sdelay $0x3  }
0xf2: {  	[tilespmem:v2+s12+$0x0] =	vst.idx.msk $0xffff, v1  }
0xf3: {  	v2 =	vor.u32 s17, v41;
	v1 =	vld.idx.msk [tilespmem:v3+s11+$0x0], $0xffff  }
0xf4: {  	v3 =	vor.u32 $0x26, v63;
	_ =	sdelay $0x3  }
0xf5: {  	[tilespmem:v2+s12+$0x0] =	vst.idx.msk $0xffff, v1  }
0xf6: {  	v2 =	vor.u32 s17, v42;
	v1 =	vld.idx.msk [tilespmem:v3+s11+$0x0], $0xffff  }
0xf7: {  	v3 =	vor.u32 $0x27, v63;
	_ =	sdelay $0x3  }
0xf8: {  	[tilespmem:v2+s12+$0x0] =	vst.idx.msk $0xffff, v1  }
0xf9: {  	v2 =	vor.u32 s17, v43;
	v1 =	vld.idx.msk [tilespmem:v3+s11+$0x0], $0xffff  }
0xfa: {  	v3 =	vor.u32 $0x28, v63;
	_ =	sdelay $0x3  }
0xfb: {  	[tilespmem:v2+s12+$0x0] =	vst.idx.msk $0xffff, v1  }
0xfc: {  	v2 =	vor.u32 s17, v44;
	v1 =	vld.idx.msk [tilespmem:v3+s11+$0x0], $0xffff  }
0xfd: {  	v3 =	vor.u32 $0x29, v63;
	_ =	sdelay $0x3  }
0xfe: {  	[tilespmem:v2+s12+$0x0] =	vst.idx.msk $0xffff, v1  }
0xff: {  	v2 =	vor.u32 s17, v45;
	v1 =	vld.idx.msk [tilespmem:v3+s11+$0x0], $0xffff  }
0x100: {  	v3 =	vor.u32 $0x2A, v63;
	_ =	sdelay $0x3  }
0x101: {  	[tilespmem:v2+s12+$0x0] =	vst.idx.msk $0xffff, v1  }
0x102: {  	v2 =	vor.u32 s17, v46;
	v1 =	vld.idx.msk [tilespmem:v3+s11+$0x0], $0xffff  }
0x103: {  	v3 =	vor.u32 $0x2B, v63;
	_ =	sdelay $0x3  }
0x104: {  	[tilespmem:v2+s12+$0x0] =	vst.idx.msk $0xffff, v1  }
0x105: {  	v2 =	vor.u32 s17, v47;
	v1 =	vld.idx.msk [tilespmem:v3+s11+$0x0], $0xffff  }
0x106: {  	v3 =	vor.u32 $0x2C, v63;
	_ =	sdelay $0x3  }
0x107: {  	[tilespmem:v2+s12+$0x0] =	vst.idx.msk $0xffff, v1  }
0x108: {  	v2 =	vor.u32 s17, v48;
	v1 =	vld.idx.msk [tilespmem:v3+s11+$0x0], $0xffff  }
0x109: {  	v3 =	vor.u32 $0x2D, v63;
	_ =	sdelay $0x3  }
0x10a: {  	[tilespmem:v2+s12+$0x0] =	vst.idx.msk $0xffff, v1  }
0x10b: {  	v2 =	vor.u32 s17, v49;
	v1 =	vld.idx.msk [tilespmem:v3+s11+$0x0], $0xffff  }
0x10c: {  	v3 =	vor.u32 $0x2E, v63;
	_ =	sdelay $0x3  }
0x10d: {  	[tilespmem:v2+s12+$0x0] =	vst.idx.msk $0xffff, v1  }
0x10e: {  	v2 =	vor.u32 s17, v50;
	v1 =	vld.idx.msk [tilespmem:v3+s11+$0x0], $0xffff  }
0x10f: {  	v3 =	vor.u32 $0x2F, v63;
	_ =	sdelay $0x3  }
0x110: {  	[tilespmem:v2+s12+$0x0] =	vst.idx.msk $0xffff, v1  }
0x111: {  	v2 =	vor.u32 s17, v51;
	v1 =	vld.idx.msk [tilespmem:v3+s11+$0x0], $0xffff  }
0x112: {  	v3 =	vor.u32 $0x30, v63;
	_ =	sdelay $0x3  }
0x113: {  	[tilespmem:v2+s12+$0x0] =	vst.idx.msk $0xffff, v1  }
0x114: {  	v2 =	vor.u32 s17, v52;
	v1 =	vld.idx.msk [tilespmem:v3+s11+$0x0], $0xffff  }
0x115: {  	v3 =	vor.u32 $0x31, v63;
	_ =	sdelay $0x3  }
0x116: {  	[tilespmem:v2+s12+$0x0] =	vst.idx.msk $0xffff, v1  }
0x117: {  	v2 =	vor.u32 s17, v53;
	v1 =	vld.idx.msk [tilespmem:v3+s11+$0x0], $0xffff  }
0x118: {  	v3 =	vor.u32 $0x32, v63;
	_ =	sdelay $0x3  }
0x119: {  	[tilespmem:v2+s12+$0x0] =	vst.idx.msk $0xffff, v1  }
0x11a: {  	v2 =	vor.u32 s17, v54;
	v1 =	vld.idx.msk [tilespmem:v3+s11+$0x0], $0xffff  }
0x11b: {  	v3 =	vor.u32 $0x33, v63;
	_ =	sdelay $0x3  }
0x11c: {  	[tilespmem:v2+s12+$0x0] =	vst.idx.msk $0xffff, v1  }
0x11d: {  	v2 =	vor.u32 s17, v55;
	v1 =	vld.idx.msk [tilespmem:v3+s11+$0x0], $0xffff  }
0x11e: {  	v3 =	vor.u32 $0x34, v63;
	_ =	sdelay $0x3  }
0x11f: {  	[tilespmem:v2+s12+$0x0] =	vst.idx.msk $0xffff, v1  }
0x120: {  	v2 =	vor.u32 s17, v56;
	v1 =	vld.idx.msk [tilespmem:v3+s11+$0x0], $0xffff  }
0x121: {  	v3 =	vor.u32 $0x35, v63;
	_ =	sdelay $0x3  }
0x122: {  	[tilespmem:v2+s12+$0x0] =	vst.idx.msk $0xffff, v1  }
0x123: {  	v2 =	vor.u32 s17, v57;
	v1 =	vld.idx.msk [tilespmem:v3+s11+$0x0], $0xffff  }
0x124: {  	v3 =	vor.u32 $0x36, v63;
	_ =	sdelay $0x3  }
0x125: {  	[tilespmem:v2+s12+$0x0] =	vst.idx.msk $0xffff, v1  }
0x126: {  	v2 =	vor.u32 s17, v58;
	v1 =	vld.idx.msk [tilespmem:v3+s11+$0x0], $0xffff  }
0x127: {  	v3 =	vor.u32 $0x37, v63;
	_ =	sdelay $0x3  }
0x128: {  	[tilespmem:v2+s12+$0x0] =	vst.idx.msk $0xffff, v1  }
0x129: {  	v2 =	vor.u32 s17, v59;
	v1 =	vld.idx.msk [tilespmem:v3+s11+$0x0], $0xffff  }
0x12a: {  	v3 =	vor.u32 $0x38, v63;
	_ =	sdelay $0x3  }
0x12b: {  	[tilespmem:v2+s12+$0x0] =	vst.idx.msk $0xffff, v1  }
0x12c: {  	v2 =	vor.u32 s17, v60;
	v1 =	vld.idx.msk [tilespmem:v3+s11+$0x0], $0xffff  }
0x12d: {  	v3 =	vor.u32 $0x39, v63;
	_ =	sdelay $0x3  }
0x12e: {  	[tilespmem:v2+s12+$0x0] =	vst.idx.msk $0xffff, v1  }
0x12f: {  	v2 =	vor.u32 s17, v61;
	v1 =	vld.idx.msk [tilespmem:v3+s11+$0x0], $0xffff  }
0x130: {  	v3 =	vor.u32 $0x3A, v63;
	_ =	sdelay $0x3  }
0x131: {  	[tilespmem:v2+s12+$0x0] =	vst.idx.msk $0xffff, v1  }
0x132: {  	v2 =	vor.u32 s17, v62;
	v1 =	vld.idx.msk [tilespmem:v3+s11+$0x0], $0xffff  }
0x133: {  	v3 =	vor.u32 $0x3B, v63;
	_ =	sdelay $0x3  }
0x134: {  	[tilespmem:v2+s12+$0x0] =	vst.idx.msk $0xffff, v1  }
0x135: {  	v2 =	vor.u32 s17, v5;
	v1 =	vld.idx.msk [tilespmem:v3+s11+$0x0], $0xffff  }
0x136: {  	v3 =	vor.u32 $0x3C, v63;
	_ =	sdelay $0x3  }
0x137: {  	[tilespmem:v2+s12+$0x0] =	vst.idx.msk $0xffff, v1  }
0x138: {  	v2 =	vor.u32 s17, v6;
	v1 =	vld.idx.msk [tilespmem:v3+s11+$0x0], $0xffff  }
0x139: {  	v3 =	vor.u32 $0x3D, v63;
	_ =	sdelay $0x3  }
0x13a: {  	[tilespmem:v2+s12+$0x0] =	vst.idx.msk $0xffff, v1  }
0x13b: {  	v2 =	vor.u32 s17, v7;
	v1 =	vld.idx.msk [tilespmem:v3+s11+$0x0], $0xffff  }
0x13c: {  	v3 =	vor.u32 $0x3E, v63;
	_ =	sdelay $0x3  }
0x13d: {  	[tilespmem:v2+s12+$0x0] =	vst.idx.msk $0xffff, v1;
	v1 =	vor.u32 $0x3E, v0  }
0x13e: {  	v2 =	vld.idx.msk [tilespmem:v3+s11+$0x0], $0xffff;
	v1 =	vor.u32 s17, v1  }
0x13f: {  	v3 =	vor.u32 $0x3F, v63;
	_ =	sdelay $0x3  }
0x140: {  	[tilespmem:v1+s12+$0x0] =	vst.idx.msk $0xffff, v2;
	v1 =	vor.u32 $0x3F, v0  }
0x141: {  	p0 =	sne.s32 s17, $0xC400;
	v2 =	vld.idx.msk [tilespmem:v3+s11+$0x0], $0xffff;
	v1 =	vor.u32 s17, v1  }
.Ltmp0:
0x142: {  	_ = 	snop;
	(pc) =	sbr.rel @p0 .LBB2_3-.Ltmp0, $2  }
0x143: {  	_ =	sdelay $0x2  }
0x144: {  	s18 =	sadd.s32 $0x10, s18;
	s17 =	sadd.s32 $0x400, s17;
	[tilespmem:v1+s12+$0x0] =	vst.idx.msk $0xffff, v2  }
0x145: {  	s17 =	smul.u32 $0x320, s16;
	_ =	sdelay $0x1  }
0x146: {  	s16 =	sadd.s32 $0x1, s16;
	s17 =	sadd.s32 s6, s17  }
0x147: {  	p0 =	sne.s32 s16, $0x20;
	s17 =	sshll.u32 s17, $0x3  }
.Ltmp1:
0x148: {  	s17 =	sadd.s32 s2, s17;
	(pc) =	sbr.rel @p0 .LBB2_2-.Ltmp1, $4  }
0x149: {  	[hbm4b:s17+s3] =	stream.linear.scatter [tilespmem:s12], [sflag:$0x1], $0xC800, $0x38;
	[tilespmem:$0x12C80] =	vst v63  }
0x14a: {  	_ =	swait.ge [sflag:s13], $0xC800  }
0x14b: {  	[sflag:s13] =	ssyncset.done $0x0  }
0x14c: {  	s15 =	sadd.s32 $0x320, s15;
	[sflag:s13] =	ssyncadd.s32 $0xFFFF3800  }
0x14d: {  	s14 =	sadd.s32 $0x1, s14  }
0x14e: {  	p0 =	sne.s32 s14, s7  }
.Ltmp2:
0x14f: {  	_ = 	snop;
	(pc) =	sbr.rel @p0 .LBB2_1-.Ltmp2, $1  }
0x150: {  	_ =	sdelay $0x3  }
0x151: {  	_ =	sfence.sel $0x180000  }
0x152: {  	[bflag:$0x0] =	sbarrier.arrive $0xFFFF  }
0x153: {  	p0 =	sne.s32 s0, $0x0;
	_ =	strace $0x90000047  }
0x154: {  	s0 =	sadd.s32 @!p0 $0x100000, s1;
	[bflag:$0x2] =	sbarrier.arrive $0xFFFF  }
0x155: {  	[sflag:s0] =	ssyncadd.tile.s32 @!p0 $0x1;
	_ =	shalt  }
.Lfunc_end2:
_tile_overlayer_lowered:
.L_overlay_start_2:
0x156: {  	(tag) =	ssettag $0x2  }
0x157: {  	s0 =	rddreg [dreg:$0x0];
	s2 =	stileid.u32  }
0x158: {  	s1 =	rddreg [dreg:$0x1];
	p0 =	sne.s32 s2, $0x0  }
0x159: {  	s3 =	rddreg [dreg:$0x2];
	[bflag:$0x3] =	sbarrier.arrive $0xFFFF;
	s2 =	simm.s32 @!p0 $0x1C02  }
0x15a: {  	[timem:s3], [sflag:s2] =	dma.local @!p0 [hbm:s0], s1  }
0x15b: {  	s0 =	simm.s32 @!p0 $0x2  }
0x15c: {  	_ =	swait.ge @!p0 [sflag:s0], s1  }
0x15d: {  	s1 =	ssub.s32 @!p0 $0x0, s1;
	[sflag:s0] =	ssyncset.done @!p0 $0x0  }
0x15e: {  	[sflag:s0] =	ssyncadd.s32 @!p0 s1  }
0x15f: {  	[bflag:$0x3] =	sbarrier.arrive $0xFFFF  }
0x160: {  	_ =	shalt  }

// kernel: sparse-core-data-format-call.cloned.1.call-start
scs
called_computation_lowered:
.L_overlay_start_0:
0x0: {  	s2 =	sld [smem:$0x3FD9]  }
0x1: {  	s3 =	sld [smem:$0x3FFE];
	_ =	sdelay $0x1  }
0x2: {  	s1 =	srdreg.scid  }
0x3: {  	s0 =	sand.u32 $0x1, s1  }
0x4: {  	s18 =	sshll.u32 s0, $0xA;
	s2 =	sadd.s32 s3, s2  }
0x5: {  	s2 =	sadd.s32 s2, s18  }
0x6: {  	[smem:$0x3FC6] =	sst s2  }
0x7: {  	_ = 	snop  }
0x8: {  	s2 =	sld [smem:$0x3FD0];
	(tm) =	ssettm $0x1  }
0x9: {  	s19 =	sld [smem:$0x3FFB];
	_ =	sdelay $0x3  }
0xa: {  	_ =	strace s19  }
0xb: {  	s3 =	sld [smem:$0x3FFC];
	_ =	sdelay $0x3  }
0xc: {  	_ =	strace s3  }
0xd: {  	s3 =	sld [smem:$0x3FFD];
	_ =	sdelay $0x3  }
0xe: {  	_ =	strace s3  }
0xf: {  	_ =	strace $0x8FFFFFFF  }
0x10: {  	s20 =	sld [smem:$0x3FDB];
	_ =	sdelay $0x1  }
0x11: {  	s4 =	simm.s32 $_scs_section_size  }
0x12: {  	s5 =	simm.s32 $_size__tile_overlayer_lowered;
	s6 =	simm.s32 $_tile_overlayer_lowered  }
0x13: {  	s23 =	simm.s32 $0x1BFF;
	s22 =	sshll.u32 s6, $0x1;
	s3 =	sadd.s32 s4, s20  }
0x14: {  	s7 =	simm.s32 $0x0;
	s21 =	sshll.u32 s5, $0x1;
	s5 =	sadd.s32 s22, s3  }
0x15: {  	[timem:s7], [sflag:s23] =	dma.local [hbm:s5], s21  }
0x16: {  	_ =	swait.ge [sflag:s23], s21  }
0x17: {  	s4 =	ssub.s32 $0x0, s21;
	[sflag:s23] =	ssyncset.done $0x0  }
0x18: {  	[sflag:s23] =	ssyncadd.s32 s4;
	_ =	sdelay $0x1  }
0x19: {  	s24 =	simm.s32 $0x1B8B  }
0x1a: {  	_ =	swait.ge [sflag:s24], $0x1  }
0x1b: {  	[sflag:s24] =	ssyncset.done $0x0  }
0x1c: {  	s26 =	simm.s32 $0x1B8E;
	s25 =	sld [smem:$0x3FFE];
	[sflag:s24] =	ssyncadd.s32 $0xFFFFFFFF  }
0x1d: {  	s27 =	simm.s32 $execute0_lowered;
	[smem:$0x3FD2] =	sst s26  }
0x1e: {  	s5 =	sshll.u32 s27, $0x1;
	_ =	strace $0x80000049;
	[dreg:$0x1] =	wrdreg $0xFFFFFFFF  }
0x1f: {  	s28 =	simm.s32 $_size_execute0_lowered;
	s3 =	sadd.s32 s3, s5;
	[dreg:$0x0] =	wrdreg $0x0  }
0x20: {  	s5 =	sshll.u32 s28, $0x1;
	[dreg:$0x2] =	wrdreg s3  }
0x21: {  	[dreg:$0x3] =	wrdreg s5  }
0x22: {  	[dreg:$0x4] =	wrdreg $0xC0  }
0x23: {  	_ =	task [dreg:s7], $0x5FFFF  }
0x24: {  	[dreg:$0x1] =	wrdreg $0xFFFFFFFF  }
0x25: {  	[dreg:$0x0] =	wrdreg $0x60  }
0x26: {  	[dreg:$0x2] =	wrdreg s25  }
0x27: {  	[dreg:$0x3] =	wrdreg s2  }
0x28: {  	[dreg:$0x4] =	wrdreg $0x9  }
0x29: {  	_ =	task.clear_ibuf [dreg:s7], $0x5FFFF;
	_ =	strace $0x90000049  }
0x2a: {  	s29 =	simm.s32 $0x9;
	_ =	strace $0x8000004B  }
0x2b: {  	_ =	swait.ge [sflag:s29], $0x1  }
0x2c: {  	[sflag:s29] =	ssyncadd.s32 $0xFFFFFFFF  }
0x2d: {  	_ =	strace $0x9000004B  }
0x2e: {  	_ =	sfence  }
0x2f: {  	s30 =	sld [smem:$0x0];
	_ =	sdelay $0x2  }
0x30: {  	s31 =	sshll.u32 s1, $0xD;
	s1 =	sshrl.u32 s1, $0x2  }
0x31: {  	s3 =	sand.u32 $0x4000, s31;
	s1 =	sadd.s32 s1, s30  }
0x32: {  	s0 =	sor.u32 s3, s0;
	s1 =	sshll.u32 s1, $0x11  }
0x33: {  	s0 =	sor.u32 s1, s0  }
0x34: {  	s0 =	sadd.s32 $0x8F2B, s0  }
0x35: {  	[sflag:s0] =	ssyncadd.remote.s32 $0x1  }
0x36: {  	_ =	sfence.sel $0xFFFF  }
0x37: {  	[dreg:$0x0] =	wrdreg $0xFFFFFFFF;
	(pc) =	sbr.abs _section_cstart, $3  }
0x38: {  	[dreg:$0x1] =	wrdreg $0xFFFFFFFF  }
0x39: {  	_ =	task.clear_ibuf [dreg:s7], $0x2FFFF;
	_ =	strace $0x9FFFFFFF  }
0x3a: {  	(tm) =	ssettm $0x7FFFFFFF  }
0x3b: {  	_ =	shalt  }
tec
execute0_lowered:
.L_overlay_start_1:
0x0: {  	(tag) =	ssettag $0x1  }
0x1: {  	s0 =	srdreg.scid  }
0x2: {  	s1 =	sshll.u32 s0, $0x4  }
0x3: {  	s0 =	stileid.u32;
	s1 =	sand.u32 $0x10, s1  }
0x4: {  	s1 =	sor.u32 s0, s1  }
0x5: {  	s6 =	rddreg [dreg:$0x0];
	s4 =	simm.s32 $0x1;
	s2 =	sshll.u32 s1, $0x7  }
0x6: {  	s7 =	simm.s32 $0x2;
	s12 =	simm.s32 $0x0;
	s1 =	ssub.s32 $0x4000, s2  }
0x7: {  	s8 =	simm.s32 $0x20000;
	s13 =	simm.s32 $0x0;
	s3 =	sand.u32 $0xF80, s1  }
0x8: {  	s9 =	simm.s32 $0x0;
	s5 =	sshrl.u32 s1, $0xC;
	p0 =	sne.s32 s3, $0x0  }
.Ltmp0:
0x9: {  	s1 =	rddreg [dreg:$0x2];
	s4 =	simm.s32 @!p0 $0x0;
	(pc) =	sbr.rel .LBB1_1-.Ltmp0, $4  }
0xa: {  	s11 =	simm.s32 $0x0;
	s3 =	rddreg [dreg:$0x1];
	s5 =	sadd.s32 s4, s5  }
0xb: {  	_ =	strace $0x8000004A;
	s4 =	simm.s32 $0x1;
	s5 =	smul.u32 $0x32, s5  }
0xc: {  	s6 =	sadd.s32 $0x800, s6;
	s10 =	smov.u32 s2;
	[sflag:s4] =	ssyncpa.u1 $0x0  }
0xd: {  	p0 =	por $0x0, $0x0;
	[sflag:s7] =	ssyncpa.u1 $0x0;
	s7 =	sor.u32 $0x1, s5  }
.LBB1_4:
0xe: {  	s16 =	sshll.u32 s13, $0x3;
	s17 =	sand.u32 $0x78, s13  }
0xf: {  	s30 =	sand.u32 $0x1F800, s13;
	s12 =	sshll.u32 s12, $0x11;
	s16 =	sand.u32 $0x3C00, s16  }
0x10: {  	[tilespmem:s15+$0x810 ss:$0x81] =	vst.msk $0xffff, v2;
	s31 =	sand.u32 $0x7, s13;
	s16 =	sor.u32 s17, s16;
	s17 =	sadd.s32 s3, s30  }
0x11: {  	[tilespmem:s15+$0x1020 ss:$0x81] =	vst.msk $0xffff, v0;
	s13 =	sshll.u32 s31, $0x12;
	s12 =	sadd.s32 s12, s17;
	s16 =	sshrl.u32 s16, $0x3  }
0x12: {  	[tilespmem:s15+$0x0 ss:$0x81] =	vst.msk $0xffff, v1;
	s13 =	sor.u32 $0x400, s13;
	s12 =	sadd.s32 s16, s12  }
0x13: {  	[hbm4b:s12+s13] =	stream.strided.scatter [tilespmem:s14], [sflag:$0x2], $0x2000, s8, s13, $0x20;
	[tilespmem:$0x8080] =	vst v63  }
.LBB1_5:
0x14: {  	s14 =	sadd.s32 $0x1, s9  }
0x15: {  	s12 =	sadd.s32 $0x1000, s10;
	s16 =	smov.u32 s10;
	p2 =	sgt.s32 s14, $0x31  }
0x16: {  	s16 =	smov.u32 @p2 s12  }
0x17: {  	s14 =	simm.s32 @p2 $0x0;
	p2 =	sgt.s32 s16, $0x3FFF  }
0x18: {  	s16 =	smov.u32 @p2 s2;
	p2 =	sne.s32 s11, s7  }
.Ltmp1:
0x19: {  	p1 =	slt.u32 s11, $0x2;
	(pc) =	sbr.rel @!p2 .LBB1_6-.Ltmp1, $4  }
0x1a: {  	s15 =	simm.s32 @!p1 $0x2  }
0x1b: {  	s13 =	smov.u32 s10;
	p0 =	por !p0, !p0;
	_ =	swait.ge @!p1 [sflag:s15], $0x2000  }
0x1c: {  	s12 =	smov.u32 s9;
	[sflag:s15] =	ssyncset.done @!p1 $0x0;
	s9 =	smov.u32 s14  }
0x1d: {  	s11 =	sadd.s32 $0x1, s11;
	[sflag:s15] =	ssyncadd.s32 @!p1 $0xFFFFE000;
	s10 =	smov.u32 s16  }
.LBB1_1:
0x1e: {  	p1 =	sge.u32 s11, s5  }
0x1f: {  	s14 =	sand.u32 @!p1 $0x1FFFFFF, s9  }
0x20: {  	s15 =	smulhi.u32 @!p1 $0x4924925, s14;
	_ =	sdelay $0x1  }
0x21: {  	s15 =	smul.u32 @!p1 $0x38, s15  }
0x22: {  	s16 =	sxor.u32 @!p1 $0xFFFFFFFF, s11;
	s17 =	smul.u32 @!p1 $0x380, s10  }
0x23: {  	s31 =	sadd.s32 $0xFFFFFFFF, s11;
	s16 =	sshll.u32 @!p1 s16, $0xD;
	s14 =	ssub.s32 @!p1 s14, s15  }
0x24: {  	s15 =	sand.u32 @!p1 $0x2000, s16;
	s16 =	sadd.s32 @!p1 s6, s17;
	s14 =	sshll.u32 @!p1 s14, $0x4  }
0x25: {  	s17 =	simm.s32 @!p1 $0x1C00;
	s14 =	sadd.s32 @!p1 s14, s16;
	s16 =	simm.s32 @!p1 $0x40  }
0x26: {  	[tilespmem:s15], [sflag:$0x1] =	stream.strided.gather @!p1 [hbm4b:s14+s16], $0x2000, s17, s16, $0x38;
	[tilespmem:$0x8080] =	vst v63  }
0x27: {  	p1 =	sge.u32 s31, s5  }
.Ltmp2:
0x28: {  	_ = 	snop;
	(pc) =	sbr.rel @p1 .LBB1_5-.Ltmp2, $1  }
0x29: {  	_ =	sdelay $0x3  }
0x2a: {  	s14 =	simm.s32 $0x1  }
0x2b: {  	_ =	swait.ge [sflag:s4], $0x2000;
	s14 =	simm.s32 @!p0 $0x0  }
0x2c: {  	[sflag:s4] =	ssyncset.done $0x0;
	s15 =	sshll.u32 s14, $0xD  }
0x2d: {  	[sflag:s4] =	ssyncadd.s32 $0xFFFFE000;
	s18 =	sor.u32 $0x20, s15  }
0x2e: {  	s14 =	smul.u32 $0x8100, s14;
	v3 =	vld [tilespmem:s18+$0x10]  }
0x2f: {  	s30 =	sand.u32 $0x1, s11;
	v2 =	vld [tilespmem:s18+$0xFFFFFFF0]  }
0x30: {  	s15 =	smul.u32 $0x8100, s30;
	s14 =	sshrl.u32 s14, $0x2;
	v0 =	vld [tilespmem:s18+$0x0]  }
0x31: {  	v1 =	vld [tilespmem:s18+$0xFFFFFFE0];
	s16 =	sor.u32 $0x4000, s14  }
0x32: {  	s31 =	sshrl.u32 s15, $0x2;
	s15 =	sadd.s32 $0x0, s16  }
0x33: {  	s17 =	simm.s32 $0x4;
	s18 =	sadd.s32 $0x40, s18;
	s14 =	sor.u32 $0x4000, s31;
	[tilespmem:s15+$0x1830 ss:$0x81] =	vst.msk $0xffff, v3  }
.LBB1_3:
0x34: {  	v3 =	vld [tilespmem:s18+$0x10];
	p1 =	sne.s32 s17, $0x1FC;
	[tilespmem:s15+$0x810 ss:$0x81] =	vst.msk $0xffff, v2;
	s19 =	smov.u32 s17;
	s17 =	sadd.s32 $0x4, s17  }
.Ltmp3:
0x35: {  	v2 =	vld [tilespmem:s18+$0xFFFFFFF0];
	[tilespmem:s15+$0x1020 ss:$0x81] =	vst.msk $0xffff, v0;
	(pc) =	sbr.rel @p1 .LBB1_3-.Ltmp3, $4  }
0x36: {  	v0 =	vld [tilespmem:s18+$0x0];
	[tilespmem:s15+$0x0 ss:$0x81] =	vst.msk $0xffff, v1  }
0x37: {  	s15 =	sshra.s32 s19, $0x2;
	v1 =	vld [tilespmem:s18+$0xFFFFFFE0]  }
0x38: {  	s15 =	sadd.s32 s15, s16  }
0x39: {  	s18 =	sadd.s32 $0x40, s18;
	[tilespmem:s15+$0x1830 ss:$0x81] =	vst.msk $0xffff, v3  }
.Ltmp4:
0x3a: {  	_ = 	snop;
	(pc) =	sbr.rel .LBB1_4-.Ltmp4, $1  }
0x3b: {  	_ =	sdelay $0x3  }
.LBB1_6:
0x3c: {  	_ =	sfence.sel $0x180000  }
0x3d: {  	s2 =	simm.s32 $0x1;
	[bflag:$0x0] =	sbarrier.arrive $0xFFFF  }
0x3e: {  	s31 =	simm.s32 $0x2;
	[sflag:s2] =	ssyncpa.u1 $0x1  }
0x3f: {  	[sflag:s31] =	ssyncpa.u1 $0x1  }
0x40: {  	p0 =	sne.s32 s0, $0x0;
	_ =	strace $0x9000004A  }
0x41: {  	s0 =	sadd.s32 @!p0 $0x100000, s1;
	[bflag:$0x2] =	sbarrier.arrive $0xFFFF  }
0x42: {  	[sflag:s0] =	ssyncadd.tile.s32 @!p0 $0x1;
	_ =	shalt  }
.Lfunc_end1:
_tile_overlayer_lowered:
.L_overlay_start_2:
0x43: {  	(tag) =	ssettag $0x2  }
0x44: {  	s0 =	rddreg [dreg:$0x0];
	s2 =	stileid.u32  }
0x45: {  	s1 =	rddreg [dreg:$0x1];
	p0 =	sne.s32 s2, $0x0  }
0x46: {  	s3 =	rddreg [dreg:$0x2];
	[bflag:$0x3] =	sbarrier.arrive $0xFFFF;
	s2 =	simm.s32 @!p0 $0x1C01  }
0x47: {  	[timem:s3], [sflag:s2] =	dma.local @!p0 [hbm:s0], s1  }
0x48: {  	s0 =	simm.s32 @!p0 $0x1  }
0x49: {  	_ =	swait.ge @!p0 [sflag:s0], s1  }
0x4a: {  	s1 =	ssub.s32 @!p0 $0x0, s1;
	[sflag:s0] =	ssyncset.done @!p0 $0x0  }
0x4b: {  	[sflag:s0] =	ssyncadd.s32 @!p0 s1  }
0x4c: {  	[bflag:$0x3] =	sbarrier.arrive $0xFFFF  }
0x4d: {  	_ =	shalt  }

</sc_bundles>
